<compile_context>
chip_gen: v7x
topology: tpu7x:2x2x1
jax: 0.10.2.dev20260603
libtpu: 0.0.44.dev20260713+nightly
codegen_flags: <defaults>
</compile_context>

<pallas_src>
import functools

import jax
import jax.numpy as jnp
from jax import lax
from jax.experimental import pallas as pl
from jax.experimental.pallas import tpu as pltpu
from jax.experimental.pallas import tpu_sc as plsc

N = 10000
E = 320000
D = 128

NC = 2
NS = 16
DH = D // NC
K = 200
NBUF = 4
CH = 100
NG = CH // NBUF
EPT = CH * K
ACC_ROWS = 10240
ZR = ACC_ROWS // NS
RPT = N // NS



def _elu(x):
    return jnp.where(x > 0, x, jnp.exp(jnp.minimum(x, 0.0)) - 1.0)


def _dense_body(x_ref, w_ref, b_ref, o_ref):
    res = (
        jnp.dot(x_ref[...], w_ref[...], preferred_element_type=jnp.float32)
        + b_ref[...]
    )
    o_ref[...] = res.astype(jnp.bfloat16)


def _combine_dense_body(q_ref, w_ref, b_ref, o_ref):
    h = _elu(q_ref[...].astype(jnp.float32))
    res = jnp.dot(h, w_ref[...], preferred_element_type=jnp.float32) + b_ref[...]
    o_ref[...] = res.astype(jnp.bfloat16)


def _final_body(q_ref, o_ref):
    o_ref[...] = _elu(q_ref[...].astype(jnp.float32))


_ROWS_BLK = 2000
_GRID = N // _ROWS_BLK

_x_spec = pl.BlockSpec((_ROWS_BLK, D), lambda i: (i, 0))
_w_spec = pl.BlockSpec((D, D), lambda i: (0, 0))
_b_spec = pl.BlockSpec((1, D), lambda i: (0, 0))
_o_spec = pl.BlockSpec((_ROWS_BLK, D), lambda i: (i, 0))
_bf_shape = jax.ShapeDtypeStruct((N, D), jnp.bfloat16)


def _dense(x, w, b):
    return pl.pallas_call(
        _dense_body,
        grid=(_GRID,),
        in_specs=[_x_spec, _w_spec, _b_spec],
        out_specs=_o_spec,
        out_shape=_bf_shape,
    )(x, w, b.reshape(1, D))


def _combine_dense(q, w, b):
    return pl.pallas_call(
        _combine_dense_body,
        grid=(_GRID,),
        in_specs=[_x_spec, _w_spec, _b_spec],
        out_specs=_o_spec,
        out_shape=_bf_shape,
    )(q, w, b.reshape(1, D))


def _final(q):
    return pl.pallas_call(
        _final_body,
        grid=(_GRID,),
        in_specs=[_x_spec],
        out_specs=_o_spec,
        out_shape=jax.ShapeDtypeStruct((N, D), jnp.float32),
    )(q)



@functools.partial(
    pl.kernel,
    out_type=jax.ShapeDtypeStruct((ACC_ROWS, D), jnp.bfloat16),
    mesh=plsc.VectorSubcoreMesh(core_axis_name="c", subcore_axis_name="s"),
    compiler_params=pltpu.CompilerParams(use_tc_tiling_on_sc=False),
    scratch_types=[
        pltpu.VMEM((EPT,), jnp.int32),
        pltpu.VMEM((EPT,), jnp.int32),
        pltpu.VMEM((NBUF, K, DH), jnp.bfloat16),
        pltpu.VMEM_SHARED((N, DH), jnp.bfloat16),
        pltpu.VMEM_SHARED((ACC_ROWS, DH), jnp.bfloat16),
        pltpu.SemaphoreType.DMA,
        pltpu.SemaphoreType.DMA,
        pltpu.SemaphoreType.DMA,
        pltpu.SemaphoreType.DMA,
    ],
)
def _sc_agg(support_hbm, srcr_hbm, dstr_hbm, zeros_hbm, out_hbm,
            idx_s, idx_d, rbuf, sup, acc, g0, g1, g2, g3):
    gsems = [g0, g1, g2, g3]
    c = lax.axis_index("c")
    s = lax.axis_index("s")

    pltpu.sync_copy(
        support_hbm.at[pl.ds(s * RPT, RPT), pl.ds(c * DH, DH)],
        sup.at[pl.ds(s * RPT, RPT)],
    )
    pltpu.sync_copy(zeros_hbm, acc.at[pl.ds(s * ZR, ZR)])
    pltpu.sync_copy(srcr_hbm.at[pl.ds(s * EPT, EPT)], idx_s)
    pltpu.sync_copy(dstr_hbm.at[pl.ds(s * EPT, EPT)], idx_d)
    plsc.subcore_barrier()

    def gather(j, b):
        pltpu.async_copy(sup.at[idx_s.at[pl.ds(j * K, K)]], rbuf.at[b],
                         gsems[b])

    def gather_wait(j, b):
        pltpu.make_async_copy(sup.at[idx_s.at[pl.ds(j * K, K)]], rbuf.at[b],
                              gsems[b]).wait()

    def scatter(j, b):
        pltpu.sync_copy(rbuf.at[b], acc.at[idx_d.at[pl.ds(j * K, K)]],
                        add=True)

    for b in range(NBUF):
        gather(b, b)

    def group(t, carry):
        base = t * NBUF
        for b in range(NBUF):
            gather_wait(base + b, b)
            scatter(base + b, b)
            gather(base + NBUF + b, b)
        return carry

    lax.fori_loop(0, NG - 1, group, 0)

    ebase = (NG - 1) * NBUF
    for b in range(NBUF):
        gather_wait(ebase + b, b)
        scatter(ebase + b, b)
    plsc.subcore_barrier()

    pltpu.sync_copy(
        acc.at[pl.ds(s * ZR, ZR)],
        out_hbm.at[pl.ds(s * ZR, ZR), pl.ds(c * DH, DH)],
    )



def kernel(features, adj, W1, b1, W2, b2):
    src = adj[0]
    dst = adj[1]
    zeros = jnp.zeros((ZR, DH), jnp.bfloat16)

    s1 = _dense(features, W1, b1)
    p = _sc_agg(s1, src, dst, zeros)
    s2 = _combine_dense(p, W2, b2)
    q = _sc_agg(s2, src, dst, zeros)
    return _final(q)

# --- scband reference (transcript-rebuilt; emitter-appended) ---
"""Pipeline reference for scband-gcnembedder-47845935677899 (READ-ONLY COPY).

The authoritative reference and input builder live on the scoring server;
editing this copy changes nothing except your own understanding.
"""

import jax, jax.numpy as jnp
import numpy as np

N = 10000
E = 320000
D = 128

def setup_inputs(seed: int = 0) -> dict:
    key = jax.random.key(seed)
    k1, k2, k3, k4, k5, k6 = jax.random.split(key, 6)
    features = jax.random.normal(k1, (N, D), dtype=jnp.float32)
    adj = jax.random.randint(k2, (2, E), 0, N, dtype=jnp.int32)
    s = 1.0 / np.sqrt(D)
    W1 = jax.random.uniform(k3, (D, D), dtype=jnp.float32, minval=-s, maxval=s)
    b1 = jax.random.uniform(k4, (D,), dtype=jnp.float32, minval=-s, maxval=s)
    W2 = jax.random.uniform(k5, (D, D), dtype=jnp.float32, minval=-s, maxval=s)
    b2 = jax.random.uniform(k6, (D,), dtype=jnp.float32, minval=-s, maxval=s)
    return {"features": features, "adj": adj, "W1": W1, "b1": b1, "W2": W2, "b2": b2}

def reference(features, adj, W1, b1, W2, b2):
    # GCNEmbedder with layers [128 -> 128 -> 128], no norms, F.elu activation.
    # Each GCN layer: support = x @ W + b; out = A @ support, where A is in COO
    # edge-index form: adj[0] = src nodes, adj[1] = dst nodes.
    src = adj[0]
    dst = adj[1]
    def gcn_layer(x, W, b):
        support = x @ W + b
        msg = jnp.take(support, src, axis=0)          # gather (SparseCore)
        return jax.ops.segment_sum(msg, dst, num_segments=N)  # scatter-add
    h = jax.nn.elu(gcn_layer(features, W1, b1))
    h = jax.nn.elu(gcn_layer(h, W2, b2))
    return h

if __name__ == "__main__":
    import jax
    _d = setup_inputs()
    print(jax.jit(kernel)(*tuple(_d.values())))

</pallas_src>

<mosaic_0001>
#map = affine_map<(d0, d1) -> (0, 0)>
#map1 = affine_map<(d0, d1) -> (0)>
module attributes {stable_mosaic.version = 14 : i64} {
  func.func @_sc_agg(%arg0: i32, %arg1: i32, %arg2: memref<10000x128xbf16, #tpu.memory_space<hbm>>, %arg3: memref<320000xi32, #tpu.memory_space<hbm>>, %arg4: memref<320000xi32, #tpu.memory_space<hbm>>, %arg5: memref<640x64xbf16, #tpu.memory_space<hbm>>, %arg6: memref<10240x128xbf16, #tpu.memory_space<hbm>>, %arg7: memref<20000xi32, #tpu.memory_space<vmem>>, %arg8: memref<20000xi32, #tpu.memory_space<vmem>>, %arg9: memref<4x200x64xbf16, #tpu.memory_space<vmem>>, %arg10: memref<10000x64xbf16, #tpu.memory_space<vmem_shared>>, %arg11: memref<10240x64xbf16, #tpu.memory_space<vmem_shared>>, %arg12: memref<!tpu.dma_semaphore, #tpu.memory_space<semaphore_mem>>, %arg13: memref<!tpu.dma_semaphore, #tpu.memory_space<semaphore_mem>>, %arg14: memref<!tpu.dma_semaphore, #tpu.memory_space<semaphore_mem>>, %arg15: memref<!tpu.dma_semaphore, #tpu.memory_space<semaphore_mem>>) attributes {dimension_semantics = [#tpu.dimension_semantics<core_parallel>, #tpu.dimension_semantics<subcore_parallel>], iteration_bounds = array<i64: 2, 16>, scalar_prefetch = 0 : i64, scratch_operands = 9 : i64, tpu.core_type = #tpu.core_type<sc_vector_subcore>, window_params = [{transform_indices = #map}, {transform_indices = #map1}, {transform_indices = #map1}, {transform_indices = #map}, {transform_indices = #map}]} {
    %mul3A = arith.constant 625 : i32
    %mul3A_0 = arith.muli %arg1, %mul3A : i32
    %mul3A_1 = arith.constant 64 : i32
    %mul3A_2 = arith.muli %arg0, %mul3A_1 : i32
    %mul3A_3 = arith.constant 625 : i32
    %mul3A_4 = arith.muli %arg1, %mul3A_3 : i32
    "tpu.region"() ({
      %run_scoped3A_104 = tpu.sem_alloc : memref<!tpu.dma_semaphore, #tpu.memory_space<semaphore_mem>>
      %dma_start3A_105 = arith.constant 0 : i32
      %dma_start3A_106 = tpu.memref_slice %arg10[%mul3A_4, %dma_start3A_105] : memref<10000x64xbf16, #tpu.memory_space<vmem_shared>> -> memref<625x64xbf16, #tpu.memory_space<vmem_shared>>
      %dma_start3A_107 = tpu.memref_slice %arg2[%mul3A_0, %mul3A_2] : memref<10000x128xbf16, #tpu.memory_space<hbm>> -> memref<625x64xbf16, #tpu.memory_space<hbm>>
      tpu.enqueue_dma source(%dma_start3A_107 : memref<625x64xbf16, #tpu.memory_space<hbm>>) target(%dma_start3A_106 : memref<625x64xbf16, #tpu.memory_space<vmem_shared>>) target_semaphore(%run_scoped3A_104 : memref<!tpu.dma_semaphore, #tpu.memory_space<semaphore_mem>>)
      %dma_wait3A_108 = arith.constant 0 : i32
      %dma_wait3A_109 = tpu.memref_slice %arg10[%mul3A_4, %dma_wait3A_108] : memref<10000x64xbf16, #tpu.memory_space<vmem_shared>> -> memref<625x64xbf16, #tpu.memory_space<vmem_shared>>
      %dma_wait3A_110 = tpu.memref_slice %arg2[%mul3A_0, %mul3A_2] : memref<10000x128xbf16, #tpu.memory_space<hbm>> -> memref<625x64xbf16, #tpu.memory_space<hbm>>
      tpu.wait_dma2 semaphore(%run_scoped3A_104 : memref<!tpu.dma_semaphore, #tpu.memory_space<semaphore_mem>>) src(%dma_wait3A_110 : memref<625x64xbf16, #tpu.memory_space<hbm>>) dst(%dma_wait3A_109 : memref<625x64xbf16, #tpu.memory_space<vmem_shared>>)
      tpu.yield
    }) : () -> ()
    %mul3A_5 = arith.constant 640 : i32
    %mul3A_6 = arith.muli %arg1, %mul3A_5 : i32
    "tpu.region"() ({
      %run_scoped3A_104 = tpu.sem_alloc : memref<!tpu.dma_semaphore, #tpu.memory_space<semaphore_mem>>
      %dma_start3A_105 = arith.constant 0 : i32
      %dma_start3A_106 = tpu.memref_slice %arg11[%mul3A_6, %dma_start3A_105] : memref<10240x64xbf16, #tpu.memory_space<vmem_shared>> -> memref<640x64xbf16, #tpu.memory_space<vmem_shared>>
      tpu.enqueue_dma source(%arg5 : memref<640x64xbf16, #tpu.memory_space<hbm>>) target(%dma_start3A_106 : memref<640x64xbf16, #tpu.memory_space<vmem_shared>>) target_semaphore(%run_scoped3A_104 : memref<!tpu.dma_semaphore, #tpu.memory_space<semaphore_mem>>)
      %dma_wait3A_107 = arith.constant 0 : i32
      %dma_wait3A_108 = tpu.memref_slice %arg11[%mul3A_6, %dma_wait3A_107] : memref<10240x64xbf16, #tpu.memory_space<vmem_shared>> -> memref<640x64xbf16, #tpu.memory_space<vmem_shared>>
      tpu.wait_dma2 semaphore(%run_scoped3A_104 : memref<!tpu.dma_semaphore, #tpu.memory_space<semaphore_mem>>) src(%arg5 : memref<640x64xbf16, #tpu.memory_space<hbm>>) dst(%dma_wait3A_108 : memref<640x64xbf16, #tpu.memory_space<vmem_shared>>)
      tpu.yield
    }) : () -> ()
    %mul3A_7 = arith.constant 20000 : i32
    %mul3A_8 = arith.muli %arg1, %mul3A_7 : i32
    "tpu.region"() ({
      %run_scoped3A_104 = tpu.sem_alloc : memref<!tpu.dma_semaphore, #tpu.memory_space<semaphore_mem>>
      %dma_start3A_105 = tpu.memref_slice %arg3[%mul3A_8] : memref<320000xi32, #tpu.memory_space<hbm>> -> memref<20000xi32, #tpu.memory_space<hbm>>
      %dma_start3A_106 = tpu.memref_slice %arg3[%mul3A_8] : memref<320000xi32, #tpu.memory_space<hbm>> -> memref<20000xi32, #tpu.memory_space<hbm>>
      tpu.enqueue_dma source(%dma_start3A_106 : memref<20000xi32, #tpu.memory_space<hbm>>) target(%arg7 : memref<20000xi32, #tpu.memory_space<vmem>>) target_semaphore(%run_scoped3A_104 : memref<!tpu.dma_semaphore, #tpu.memory_space<semaphore_mem>>)
      %dma_wait3A_107 = tpu.memref_slice %arg3[%mul3A_8] : memref<320000xi32, #tpu.memory_space<hbm>> -> memref<20000xi32, #tpu.memory_space<hbm>>
      %dma_wait3A_108 = tpu.memref_slice %arg3[%mul3A_8] : memref<320000xi32, #tpu.memory_space<hbm>> -> memref<20000xi32, #tpu.memory_space<hbm>>
      tpu.wait_dma2 semaphore(%run_scoped3A_104 : memref<!tpu.dma_semaphore, #tpu.memory_space<semaphore_mem>>) src(%dma_wait3A_108 : memref<20000xi32, #tpu.memory_space<hbm>>) dst(%arg7 : memref<20000xi32, #tpu.memory_space<vmem>>)
      tpu.yield
    }) : () -> ()
    %mul3A_9 = arith.constant 20000 : i32
    %mul3A_10 = arith.muli %arg1, %mul3A_9 : i32
    "tpu.region"() ({
      %run_scoped3A_104 = tpu.sem_alloc : memref<!tpu.dma_semaphore, #tpu.memory_space<semaphore_mem>>
      %dma_start3A_105 = tpu.memref_slice %arg4[%mul3A_10] : memref<320000xi32, #tpu.memory_space<hbm>> -> memref<20000xi32, #tpu.memory_space<hbm>>
      %dma_start3A_106 = tpu.memref_slice %arg4[%mul3A_10] : memref<320000xi32, #tpu.memory_space<hbm>> -> memref<20000xi32, #tpu.memory_space<hbm>>
      tpu.enqueue_dma source(%dma_start3A_106 : memref<20000xi32, #tpu.memory_space<hbm>>) target(%arg8 : memref<20000xi32, #tpu.memory_space<vmem>>) target_semaphore(%run_scoped3A_104 : memref<!tpu.dma_semaphore, #tpu.memory_space<semaphore_mem>>)
      %dma_wait3A_107 = tpu.memref_slice %arg4[%mul3A_10] : memref<320000xi32, #tpu.memory_space<hbm>> -> memref<20000xi32, #tpu.memory_space<hbm>>
      %dma_wait3A_108 = tpu.memref_slice %arg4[%mul3A_10] : memref<320000xi32, #tpu.memory_space<hbm>> -> memref<20000xi32, #tpu.memory_space<hbm>>
      tpu.wait_dma2 semaphore(%run_scoped3A_104 : memref<!tpu.dma_semaphore, #tpu.memory_space<semaphore_mem>>) src(%dma_wait3A_108 : memref<20000xi32, #tpu.memory_space<hbm>>) dst(%arg8 : memref<20000xi32, #tpu.memory_space<vmem>>)
      tpu.yield
    }) : () -> ()
    %barrier3A = arith.constant 0 : index
    tpu.barrier barrier_id(%barrier3A)
    %dma_start3A = arith.constant 0 : i32
    %dma_start3A_11 = arith.constant 0 : i32
    %dma_start3A_12 = arith.constant 0 : i32
    %dma_start3A_13 = tpu.memref_slice %arg9[%dma_start3A, %dma_start3A_11, %dma_start3A_12] : memref<4x200x64xbf16, #tpu.memory_space<vmem>> -> memref<1x200x64xbf16, #tpu.memory_space<vmem>>
    %dma_start3A_14 = tpu.memref_squeeze %dma_start3A_13 : memref<1x200x64xbf16, #tpu.memory_space<vmem>> -> memref<200x64xbf16, #tpu.memory_space<vmem>>
    %dma_start3A_15 = arith.constant 0 : i32
    %dma_start3A_16 = tpu.memref_slice %arg7[%dma_start3A_15] : memref<20000xi32, #tpu.memory_space<vmem>> -> memref<200xi32, #tpu.memory_space<vmem>>
    %dma_start3A_17 = arith.constant 0 : i32
    %dma_start3A_18 = arith.constant 0 : i32
    %dma_start3A_19 = tpu.memref_slice %arg10[%dma_start3A_17, %dma_start3A_18] : memref<10000x64xbf16, #tpu.memory_space<vmem_shared>> -> memref<10000x64xbf16, #tpu.memory_space<vmem_shared>>
    tpu.enqueue_indirect_dma source(%dma_start3A_19 : memref<10000x64xbf16, #tpu.memory_space<vmem_shared>>) target(%dma_start3A_14 : memref<200x64xbf16, #tpu.memory_space<vmem>>) offsets(%dma_start3A_16 : memref<200xi32, #tpu.memory_space<vmem>>) semaphore(%arg12 : memref<!tpu.dma_semaphore, #tpu.memory_space<semaphore_mem>>)
    %dma_start3A_20 = arith.constant 1 : i32
    %dma_start3A_21 = arith.constant 0 : i32
    %dma_start3A_22 = arith.constant 0 : i32
    %dma_start3A_23 = tpu.memref_slice %arg9[%dma_start3A_20, %dma_start3A_21, %dma_start3A_22] : memref<4x200x64xbf16, #tpu.memory_space<vmem>> -> memref<1x200x64xbf16, #tpu.memory_space<vmem>>
    %dma_start3A_24 = tpu.memref_squeeze %dma_start3A_23 : memref<1x200x64xbf16, #tpu.memory_space<vmem>> -> memref<200x64xbf16, #tpu.memory_space<vmem>>
    %dma_start3A_25 = arith.constant 200 : i32
    %dma_start3A_26 = tpu.memref_slice %arg7[%dma_start3A_25] : memref<20000xi32, #tpu.memory_space<vmem>> -> memref<200xi32, #tpu.memory_space<vmem>>
    %dma_start3A_27 = arith.constant 0 : i32
    %dma_start3A_28 = arith.constant 0 : i32
    %dma_start3A_29 = tpu.memref_slice %arg10[%dma_start3A_27, %dma_start3A_28] : memref<10000x64xbf16, #tpu.memory_space<vmem_shared>> -> memref<10000x64xbf16, #tpu.memory_space<vmem_shared>>
    tpu.enqueue_indirect_dma source(%dma_start3A_29 : memref<10000x64xbf16, #tpu.memory_space<vmem_shared>>) target(%dma_start3A_24 : memref<200x64xbf16, #tpu.memory_space<vmem>>) offsets(%dma_start3A_26 : memref<200xi32, #tpu.memory_space<vmem>>) semaphore(%arg13 : memref<!tpu.dma_semaphore, #tpu.memory_space<semaphore_mem>>)
    %dma_start3A_30 = arith.constant 2 : i32
    %dma_start3A_31 = arith.constant 0 : i32
    %dma_start3A_32 = arith.constant 0 : i32
    %dma_start3A_33 = tpu.memref_slice %arg9[%dma_start3A_30, %dma_start3A_31, %dma_start3A_32] : memref<4x200x64xbf16, #tpu.memory_space<vmem>> -> memref<1x200x64xbf16, #tpu.memory_space<vmem>>
    %dma_start3A_34 = tpu.memref_squeeze %dma_start3A_33 : memref<1x200x64xbf16, #tpu.memory_space<vmem>> -> memref<200x64xbf16, #tpu.memory_space<vmem>>
    %dma_start3A_35 = arith.constant 400 : i32
    %dma_start3A_36 = tpu.memref_slice %arg7[%dma_start3A_35] : memref<20000xi32, #tpu.memory_space<vmem>> -> memref<200xi32, #tpu.memory_space<vmem>>
    %dma_start3A_37 = arith.constant 0 : i32
    %dma_start3A_38 = arith.constant 0 : i32
    %dma_start3A_39 = tpu.memref_slice %arg10[%dma_start3A_37, %dma_start3A_38] : memref<10000x64xbf16, #tpu.memory_space<vmem_shared>> -> memref<10000x64xbf16, #tpu.memory_space<vmem_shared>>
    tpu.enqueue_indirect_dma source(%dma_start3A_39 : memref<10000x64xbf16, #tpu.memory_space<vmem_shared>>) target(%dma_start3A_34 : memref<200x64xbf16, #tpu.memory_space<vmem>>) offsets(%dma_start3A_36 : memref<200xi32, #tpu.memory_space<vmem>>) semaphore(%arg14 : memref<!tpu.dma_semaphore, #tpu.memory_space<semaphore_mem>>)
    %dma_start3A_40 = arith.constant 3 : i32
    %dma_start3A_41 = arith.constant 0 : i32
    %dma_start3A_42 = arith.constant 0 : i32
    %dma_start3A_43 = tpu.memref_slice %arg9[%dma_start3A_40, %dma_start3A_41, %dma_start3A_42] : memref<4x200x64xbf16, #tpu.memory_space<vmem>> -> memref<1x200x64xbf16, #tpu.memory_space<vmem>>
    %dma_start3A_44 = tpu.memref_squeeze %dma_start3A_43 : memref<1x200x64xbf16, #tpu.memory_space<vmem>> -> memref<200x64xbf16, #tpu.memory_space<vmem>>
    %dma_start3A_45 = arith.constant 600 : i32
    %dma_start3A_46 = tpu.memref_slice %arg7[%dma_start3A_45] : memref<20000xi32, #tpu.memory_space<vmem>> -> memref<200xi32, #tpu.memory_space<vmem>>
    %dma_start3A_47 = arith.constant 0 : i32
    %dma_start3A_48 = arith.constant 0 : i32
    %dma_start3A_49 = tpu.memref_slice %arg10[%dma_start3A_47, %dma_start3A_48] : memref<10000x64xbf16, #tpu.memory_space<vmem_shared>> -> memref<10000x64xbf16, #tpu.memory_space<vmem_shared>>
    tpu.enqueue_indirect_dma source(%dma_start3A_49 : memref<10000x64xbf16, #tpu.memory_space<vmem_shared>>) target(%dma_start3A_44 : memref<200x64xbf16, #tpu.memory_space<vmem>>) offsets(%dma_start3A_46 : memref<200xi32, #tpu.memory_space<vmem>>) semaphore(%arg15 : memref<!tpu.dma_semaphore, #tpu.memory_space<semaphore_mem>>)
    %scan3A = arith.constant 0 : i32
    %scan3A_50 = arith.constant 0 : i32
    %scan3A_51 = arith.constant 24 : i32
    %scan3A_52 = arith.addi %scan3A_50, %scan3A_51 : i32
    %scan3A_53 = arith.constant 1 : i32
    scf.for %scan3A_104 = %scan3A_50 to %scan3A_52 step %scan3A_53  : i32 {
      %mul3A_105 = arith.constant 4 : i32
      %mul3A_106 = arith.muli %scan3A_104, %mul3A_105 : i32
      %add3A = arith.constant 0 : i32
      %add3A_107 = arith.addi %mul3A_106, %add3A : i32
      %mul3A_108 = arith.constant 200 : i32
      %mul3A_109 = arith.muli %add3A_107, %mul3A_108 : i32
      %dma_wait3A_110 = arith.constant 0 : i32
      %dma_wait3A_111 = arith.constant 0 : i32
      %dma_wait3A_112 = arith.constant 0 : i32
      %dma_wait3A_113 = tpu.memref_slice %arg9[%dma_wait3A_110, %dma_wait3A_111, %dma_wait3A_112] : memref<4x200x64xbf16, #tpu.memory_space<vmem>> -> memref<1x200x64xbf16, #tpu.memory_space<vmem>>
      %dma_wait3A_114 = tpu.memref_squeeze %dma_wait3A_113 : memref<1x200x64xbf16, #tpu.memory_space<vmem>> -> memref<200x64xbf16, #tpu.memory_space<vmem>>
      %dma_wait3A_115 = tpu.memref_slice %arg7[%mul3A_109] : memref<20000xi32, #tpu.memory_space<vmem>> -> memref<200xi32, #tpu.memory_space<vmem>>
      %dma_wait3A_116 = arith.constant 0 : i32
      %dma_wait3A_117 = arith.constant 0 : i32
      %dma_wait3A_118 = tpu.memref_slice %arg10[%dma_wait3A_116, %dma_wait3A_117] : memref<10000x64xbf16, #tpu.memory_space<vmem_shared>> -> memref<10000x64xbf16, #tpu.memory_space<vmem_shared>>
      tpu.wait_indirect_dma semaphore(%arg12 : memref<!tpu.dma_semaphore, #tpu.memory_space<semaphore_mem>>) src(%dma_wait3A_118 : memref<10000x64xbf16, #tpu.memory_space<vmem_shared>>) dst(%dma_wait3A_114 : memref<200x64xbf16, #tpu.memory_space<vmem>>)
      %add3A_119 = arith.constant 0 : i32
      %add3A_120 = arith.addi %mul3A_106, %add3A_119 : i32
      %mul3A_121 = arith.constant 200 : i32
      %mul3A_122 = arith.muli %add3A_120, %mul3A_121 : i32
      %run_scoped3A_123 = arith.constant 0 : i32
      "tpu.region"() ({
        %run_scoped3A_238 = tpu.sem_alloc : memref<!tpu.dma_semaphore, #tpu.memory_space<semaphore_mem>>
        %dma_start3A_239 = arith.constant 0 : i32
        %dma_start3A_240 = arith.constant 0 : i32
        %dma_start3A_241 = tpu.memref_slice %arg9[%run_scoped3A_123, %dma_start3A_239, %dma_start3A_240] : memref<4x200x64xbf16, #tpu.memory_space<vmem>> -> memref<1x200x64xbf16, #tpu.memory_space<vmem>>
        %dma_start3A_242 = tpu.memref_squeeze %dma_start3A_241 : memref<1x200x64xbf16, #tpu.memory_space<vmem>> -> memref<200x64xbf16, #tpu.memory_space<vmem>>
        %dma_start3A_243 = tpu.memref_slice %arg8[%mul3A_122] : memref<20000xi32, #tpu.memory_space<vmem>> -> memref<200xi32, #tpu.memory_space<vmem>>
        %dma_start3A_244 = arith.constant 0 : i32
        %dma_start3A_245 = arith.constant 0 : i32
        %dma_start3A_246 = tpu.memref_slice %arg11[%dma_start3A_244, %dma_start3A_245] : memref<10240x64xbf16, #tpu.memory_space<vmem_shared>> -> memref<10240x64xbf16, #tpu.memory_space<vmem_shared>>
        tpu.enqueue_indirect_dma source(%dma_start3A_242 : memref<200x64xbf16, #tpu.memory_space<vmem>>) target(%dma_start3A_246 : memref<10240x64xbf16, #tpu.memory_space<vmem_shared>>) offsets(%dma_start3A_243 : memref<200xi32, #tpu.memory_space<vmem>>) semaphore(%run_scoped3A_238 : memref<!tpu.dma_semaphore, #tpu.memory_space<semaphore_mem>>) {add = true}
        %dma_wait3A_247 = arith.constant 0 : i32
        %dma_wait3A_248 = arith.constant 0 : i32
        %dma_wait3A_249 = tpu.memref_slice %arg9[%run_scoped3A_123, %dma_wait3A_247, %dma_wait3A_248] : memref<4x200x64xbf16, #tpu.memory_space<vmem>> -> memref<1x200x64xbf16, #tpu.memory_space<vmem>>
        %dma_wait3A_250 = tpu.memref_squeeze %dma_wait3A_249 : memref<1x200x64xbf16, #tpu.memory_space<vmem>> -> memref<200x64xbf16, #tpu.memory_space<vmem>>
        %dma_wait3A_251 = tpu.memref_slice %arg8[%mul3A_122] : memref<20000xi32, #tpu.memory_space<vmem>> -> memref<200xi32, #tpu.memory_space<vmem>>
        %dma_wait3A_252 = arith.constant 0 : i32
        %dma_wait3A_253 = arith.constant 0 : i32
        %dma_wait3A_254 = tpu.memref_slice %arg11[%dma_wait3A_252, %dma_wait3A_253] : memref<10240x64xbf16, #tpu.memory_space<vmem_shared>> -> memref<10240x64xbf16, #tpu.memory_space<vmem_shared>>
        tpu.wait_indirect_dma semaphore(%run_scoped3A_238 : memref<!tpu.dma_semaphore, #tpu.memory_space<semaphore_mem>>) src(%dma_wait3A_250 : memref<200x64xbf16, #tpu.memory_space<vmem>>) dst(%dma_wait3A_254 : memref<10240x64xbf16, #tpu.memory_space<vmem_shared>>)
        tpu.yield
      }) : () -> ()
      %add3A_124 = arith.constant 4 : i32
      %add3A_125 = arith.addi %mul3A_106, %add3A_124 : i32
      %add3A_126 = arith.constant 0 : i32
      %add3A_127 = arith.addi %add3A_125, %add3A_126 : i32
      %mul3A_128 = arith.constant 200 : i32
      %mul3A_129 = arith.muli %add3A_127, %mul3A_128 : i32
      %dma_start3A_130 = arith.constant 0 : i32
      %dma_start3A_131 = arith.constant 0 : i32
      %dma_start3A_132 = arith.constant 0 : i32
      %dma_start3A_133 = tpu.memref_slice %arg9[%dma_start3A_130, %dma_start3A_131, %dma_start3A_132] : memref<4x200x64xbf16, #tpu.memory_space<vmem>> -> memref<1x200x64xbf16, #tpu.memory_space<vmem>>
      %dma_start3A_134 = tpu.memref_squeeze %dma_start3A_133 : memref<1x200x64xbf16, #tpu.memory_space<vmem>> -> memref<200x64xbf16, #tpu.memory_space<vmem>>
      %dma_start3A_135 = tpu.memref_slice %arg7[%mul3A_129] : memref<20000xi32, #tpu.memory_space<vmem>> -> memref<200xi32, #tpu.memory_space<vmem>>
      %dma_start3A_136 = arith.constant 0 : i32
      %dma_start3A_137 = arith.constant 0 : i32
      %dma_start3A_138 = tpu.memref_slice %arg10[%dma_start3A_136, %dma_start3A_137] : memref<10000x64xbf16, #tpu.memory_space<vmem_shared>> -> memref<10000x64xbf16, #tpu.memory_space<vmem_shared>>
      tpu.enqueue_indirect_dma source(%dma_start3A_138 : memref<10000x64xbf16, #tpu.memory_space<vmem_shared>>) target(%dma_start3A_134 : memref<200x64xbf16, #tpu.memory_space<vmem>>) offsets(%dma_start3A_135 : memref<200xi32, #tpu.memory_space<vmem>>) semaphore(%arg12 : memref<!tpu.dma_semaphore, #tpu.memory_space<semaphore_mem>>)
      %add3A_139 = arith.constant 1 : i32
      %add3A_140 = arith.addi %mul3A_106, %add3A_139 : i32
      %mul3A_141 = arith.constant 200 : i32
      %mul3A_142 = arith.muli %add3A_140, %mul3A_141 : i32
      %dma_wait3A_143 = arith.constant 1 : i32
      %dma_wait3A_144 = arith.constant 0 : i32
      %dma_wait3A_145 = arith.constant 0 : i32
      %dma_wait3A_146 = tpu.memref_slice %arg9[%dma_wait3A_143, %dma_wait3A_144, %dma_wait3A_145] : memref<4x200x64xbf16, #tpu.memory_space<vmem>> -> memref<1x200x64xbf16, #tpu.memory_space<vmem>>
      %dma_wait3A_147 = tpu.memref_squeeze %dma_wait3A_146 : memref<1x200x64xbf16, #tpu.memory_space<vmem>> -> memref<200x64xbf16, #tpu.memory_space<vmem>>
      %dma_wait3A_148 = tpu.memref_slice %arg7[%mul3A_142] : memref<20000xi32, #tpu.memory_space<vmem>> -> memref<200xi32, #tpu.memory_space<vmem>>
      %dma_wait3A_149 = arith.constant 0 : i32
      %dma_wait3A_150 = arith.constant 0 : i32
      %dma_wait3A_151 = tpu.memref_slice %arg10[%dma_wait3A_149, %dma_wait3A_150] : memref<10000x64xbf16, #tpu.memory_space<vmem_shared>> -> memref<10000x64xbf16, #tpu.memory_space<vmem_shared>>
      tpu.wait_indirect_dma semaphore(%arg13 : memref<!tpu.dma_semaphore, #tpu.memory_space<semaphore_mem>>) src(%dma_wait3A_151 : memref<10000x64xbf16, #tpu.memory_space<vmem_shared>>) dst(%dma_wait3A_147 : memref<200x64xbf16, #tpu.memory_space<vmem>>)
      %add3A_152 = arith.constant 1 : i32
      %add3A_153 = arith.addi %mul3A_106, %add3A_152 : i32
      %mul3A_154 = arith.constant 200 : i32
      %mul3A_155 = arith.muli %add3A_153, %mul3A_154 : i32
      %run_scoped3A_156 = arith.constant 1 : i32
      "tpu.region"() ({
        %run_scoped3A_238 = tpu.sem_alloc : memref<!tpu.dma_semaphore, #tpu.memory_space<semaphore_mem>>
        %dma_start3A_239 = arith.constant 0 : i32
        %dma_start3A_240 = arith.constant 0 : i32
        %dma_start3A_241 = tpu.memref_slice %arg9[%run_scoped3A_156, %dma_start3A_239, %dma_start3A_240] : memref<4x200x64xbf16, #tpu.memory_space<vmem>> -> memref<1x200x64xbf16, #tpu.memory_space<vmem>>
        %dma_start3A_242 = tpu.memref_squeeze %dma_start3A_241 : memref<1x200x64xbf16, #tpu.memory_space<vmem>> -> memref<200x64xbf16, #tpu.memory_space<vmem>>
        %dma_start3A_243 = tpu.memref_slice %arg8[%mul3A_155] : memref<20000xi32, #tpu.memory_space<vmem>> -> memref<200xi32, #tpu.memory_space<vmem>>
        %dma_start3A_244 = arith.constant 0 : i32
        %dma_start3A_245 = arith.constant 0 : i32
        %dma_start3A_246 = tpu.memref_slice %arg11[%dma_start3A_244, %dma_start3A_245] : memref<10240x64xbf16, #tpu.memory_space<vmem_shared>> -> memref<10240x64xbf16, #tpu.memory_space<vmem_shared>>
        tpu.enqueue_indirect_dma source(%dma_start3A_242 : memref<200x64xbf16, #tpu.memory_space<vmem>>) target(%dma_start3A_246 : memref<10240x64xbf16, #tpu.memory_space<vmem_shared>>) offsets(%dma_start3A_243 : memref<200xi32, #tpu.memory_space<vmem>>) semaphore(%run_scoped3A_238 : memref<!tpu.dma_semaphore, #tpu.memory_space<semaphore_mem>>) {add = true}
        %dma_wait3A_247 = arith.constant 0 : i32
        %dma_wait3A_248 = arith.constant 0 : i32
        %dma_wait3A_249 = tpu.memref_slice %arg9[%run_scoped3A_156, %dma_wait3A_247, %dma_wait3A_248] : memref<4x200x64xbf16, #tpu.memory_space<vmem>> -> memref<1x200x64xbf16, #tpu.memory_space<vmem>>
        %dma_wait3A_250 = tpu.memref_squeeze %dma_wait3A_249 : memref<1x200x64xbf16, #tpu.memory_space<vmem>> -> memref<200x64xbf16, #tpu.memory_space<vmem>>
        %dma_wait3A_251 = tpu.memref_slice %arg8[%mul3A_155] : memref<20000xi32, #tpu.memory_space<vmem>> -> memref<200xi32, #tpu.memory_space<vmem>>
        %dma_wait3A_252 = arith.constant 0 : i32
        %dma_wait3A_253 = arith.constant 0 : i32
        %dma_wait3A_254 = tpu.memref_slice %arg11[%dma_wait3A_252, %dma_wait3A_253] : memref<10240x64xbf16, #tpu.memory_space<vmem_shared>> -> memref<10240x64xbf16, #tpu.memory_space<vmem_shared>>
        tpu.wait_indirect_dma semaphore(%run_scoped3A_238 : memref<!tpu.dma_semaphore, #tpu.memory_space<semaphore_mem>>) src(%dma_wait3A_250 : memref<200x64xbf16, #tpu.memory_space<vmem>>) dst(%dma_wait3A_254 : memref<10240x64xbf16, #tpu.memory_space<vmem_shared>>)
        tpu.yield
      }) : () -> ()
      %add3A_157 = arith.constant 4 : i32
      %add3A_158 = arith.addi %mul3A_106, %add3A_157 : i32
      %add3A_159 = arith.constant 1 : i32
      %add3A_160 = arith.addi %add3A_158, %add3A_159 : i32
      %mul3A_161 = arith.constant 200 : i32
      %mul3A_162 = arith.muli %add3A_160, %mul3A_161 : i32
      %dma_start3A_163 = arith.constant 1 : i32
      %dma_start3A_164 = arith.constant 0 : i32
      %dma_start3A_165 = arith.constant 0 : i32
      %dma_start3A_166 = tpu.memref_slice %arg9[%dma_start3A_163, %dma_start3A_164, %dma_start3A_165] : memref<4x200x64xbf16, #tpu.memory_space<vmem>> -> memref<1x200x64xbf16, #tpu.memory_space<vmem>>
      %dma_start3A_167 = tpu.memref_squeeze %dma_start3A_166 : memref<1x200x64xbf16, #tpu.memory_space<vmem>> -> memref<200x64xbf16, #tpu.memory_space<vmem>>
      %dma_start3A_168 = tpu.memref_slice %arg7[%mul3A_162] : memref<20000xi32, #tpu.memory_space<vmem>> -> memref<200xi32, #tpu.memory_space<vmem>>
      %dma_start3A_169 = arith.constant 0 : i32
      %dma_start3A_170 = arith.constant 0 : i32
      %dma_start3A_171 = tpu.memref_slice %arg10[%dma_start3A_169, %dma_start3A_170] : memref<10000x64xbf16, #tpu.memory_space<vmem_shared>> -> memref<10000x64xbf16, #tpu.memory_space<vmem_shared>>
      tpu.enqueue_indirect_dma source(%dma_start3A_171 : memref<10000x64xbf16, #tpu.memory_space<vmem_shared>>) target(%dma_start3A_167 : memref<200x64xbf16, #tpu.memory_space<vmem>>) offsets(%dma_start3A_168 : memref<200xi32, #tpu.memory_space<vmem>>) semaphore(%arg13 : memref<!tpu.dma_semaphore, #tpu.memory_space<semaphore_mem>>)
      %add3A_172 = arith.constant 2 : i32
      %add3A_173 = arith.addi %mul3A_106, %add3A_172 : i32
      %mul3A_174 = arith.constant 200 : i32
      %mul3A_175 = arith.muli %add3A_173, %mul3A_174 : i32
      %dma_wait3A_176 = arith.constant 2 : i32
      %dma_wait3A_177 = arith.constant 0 : i32
      %dma_wait3A_178 = arith.constant 0 : i32
      %dma_wait3A_179 = tpu.memref_slice %arg9[%dma_wait3A_176, %dma_wait3A_177, %dma_wait3A_178] : memref<4x200x64xbf16, #tpu.memory_space<vmem>> -> memref<1x200x64xbf16, #tpu.memory_space<vmem>>
      %dma_wait3A_180 = tpu.memref_squeeze %dma_wait3A_179 : memref<1x200x64xbf16, #tpu.memory_space<vmem>> -> memref<200x64xbf16, #tpu.memory_space<vmem>>
      %dma_wait3A_181 = tpu.memref_slice %arg7[%mul3A_175] : memref<20000xi32, #tpu.memory_space<vmem>> -> memref<200xi32, #tpu.memory_space<vmem>>
      %dma_wait3A_182 = arith.constant 0 : i32
      %dma_wait3A_183 = arith.constant 0 : i32
      %dma_wait3A_184 = tpu.memref_slice %arg10[%dma_wait3A_182, %dma_wait3A_183] : memref<10000x64xbf16, #tpu.memory_space<vmem_shared>> -> memref<10000x64xbf16, #tpu.memory_space<vmem_shared>>
      tpu.wait_indirect_dma semaphore(%arg14 : memref<!tpu.dma_semaphore, #tpu.memory_space<semaphore_mem>>) src(%dma_wait3A_184 : memref<10000x64xbf16, #tpu.memory_space<vmem_shared>>) dst(%dma_wait3A_180 : memref<200x64xbf16, #tpu.memory_space<vmem>>)
      %add3A_185 = arith.constant 2 : i32
      %add3A_186 = arith.addi %mul3A_106, %add3A_185 : i32
      %mul3A_187 = arith.constant 200 : i32
      %mul3A_188 = arith.muli %add3A_186, %mul3A_187 : i32
      %run_scoped3A_189 = arith.constant 2 : i32
      "tpu.region"() ({
        %run_scoped3A_238 = tpu.sem_alloc : memref<!tpu.dma_semaphore, #tpu.memory_space<semaphore_mem>>
        %dma_start3A_239 = arith.constant 0 : i32
        %dma_start3A_240 = arith.constant 0 : i32
        %dma_start3A_241 = tpu.memref_slice %arg9[%run_scoped3A_189, %dma_start3A_239, %dma_start3A_240] : memref<4x200x64xbf16, #tpu.memory_space<vmem>> -> memref<1x200x64xbf16, #tpu.memory_space<vmem>>
        %dma_start3A_242 = tpu.memref_squeeze %dma_start3A_241 : memref<1x200x64xbf16, #tpu.memory_space<vmem>> -> memref<200x64xbf16, #tpu.memory_space<vmem>>
        %dma_start3A_243 = tpu.memref_slice %arg8[%mul3A_188] : memref<20000xi32, #tpu.memory_space<vmem>> -> memref<200xi32, #tpu.memory_space<vmem>>
        %dma_start3A_244 = arith.constant 0 : i32
        %dma_start3A_245 = arith.constant 0 : i32
        %dma_start3A_246 = tpu.memref_slice %arg11[%dma_start3A_244, %dma_start3A_245] : memref<10240x64xbf16, #tpu.memory_space<vmem_shared>> -> memref<10240x64xbf16, #tpu.memory_space<vmem_shared>>
        tpu.enqueue_indirect_dma source(%dma_start3A_242 : memref<200x64xbf16, #tpu.memory_space<vmem>>) target(%dma_start3A_246 : memref<10240x64xbf16, #tpu.memory_space<vmem_shared>>) offsets(%dma_start3A_243 : memref<200xi32, #tpu.memory_space<vmem>>) semaphore(%run_scoped3A_238 : memref<!tpu.dma_semaphore, #tpu.memory_space<semaphore_mem>>) {add = true}
        %dma_wait3A_247 = arith.constant 0 : i32
        %dma_wait3A_248 = arith.constant 0 : i32
        %dma_wait3A_249 = tpu.memref_slice %arg9[%run_scoped3A_189, %dma_wait3A_247, %dma_wait3A_248] : memref<4x200x64xbf16, #tpu.memory_space<vmem>> -> memref<1x200x64xbf16, #tpu.memory_space<vmem>>
        %dma_wait3A_250 = tpu.memref_squeeze %dma_wait3A_249 : memref<1x200x64xbf16, #tpu.memory_space<vmem>> -> memref<200x64xbf16, #tpu.memory_space<vmem>>
        %dma_wait3A_251 = tpu.memref_slice %arg8[%mul3A_188] : memref<20000xi32, #tpu.memory_space<vmem>> -> memref<200xi32, #tpu.memory_space<vmem>>
        %dma_wait3A_252 = arith.constant 0 : i32
        %dma_wait3A_253 = arith.constant 0 : i32
        %dma_wait3A_254 = tpu.memref_slice %arg11[%dma_wait3A_252, %dma_wait3A_253] : memref<10240x64xbf16, #tpu.memory_space<vmem_shared>> -> memref<10240x64xbf16, #tpu.memory_space<vmem_shared>>
        tpu.wait_indirect_dma semaphore(%run_scoped3A_238 : memref<!tpu.dma_semaphore, #tpu.memory_space<semaphore_mem>>) src(%dma_wait3A_250 : memref<200x64xbf16, #tpu.memory_space<vmem>>) dst(%dma_wait3A_254 : memref<10240x64xbf16, #tpu.memory_space<vmem_shared>>)
        tpu.yield
      }) : () -> ()
      %add3A_190 = arith.constant 4 : i32
      %add3A_191 = arith.addi %mul3A_106, %add3A_190 : i32
      %add3A_192 = arith.constant 2 : i32
      %add3A_193 = arith.addi %add3A_191, %add3A_192 : i32
      %mul3A_194 = arith.constant 200 : i32
      %mul3A_195 = arith.muli %add3A_193, %mul3A_194 : i32
      %dma_start3A_196 = arith.constant 2 : i32
      %dma_start3A_197 = arith.constant 0 : i32
      %dma_start3A_198 = arith.constant 0 : i32
      %dma_start3A_199 = tpu.memref_slice %arg9[%dma_start3A_196, %dma_start3A_197, %dma_start3A_198] : memref<4x200x64xbf16, #tpu.memory_space<vmem>> -> memref<1x200x64xbf16, #tpu.memory_space<vmem>>
      %dma_start3A_200 = tpu.memref_squeeze %dma_start3A_199 : memref<1x200x64xbf16, #tpu.memory_space<vmem>> -> memref<200x64xbf16, #tpu.memory_space<vmem>>
      %dma_start3A_201 = tpu.memref_slice %arg7[%mul3A_195] : memref<20000xi32, #tpu.memory_space<vmem>> -> memref<200xi32, #tpu.memory_space<vmem>>
      %dma_start3A_202 = arith.constant 0 : i32
      %dma_start3A_203 = arith.constant 0 : i32
      %dma_start3A_204 = tpu.memref_slice %arg10[%dma_start3A_202, %dma_start3A_203] : memref<10000x64xbf16, #tpu.memory_space<vmem_shared>> -> memref<10000x64xbf16, #tpu.memory_space<vmem_shared>>
      tpu.enqueue_indirect_dma source(%dma_start3A_204 : memref<10000x64xbf16, #tpu.memory_space<vmem_shared>>) target(%dma_start3A_200 : memref<200x64xbf16, #tpu.memory_space<vmem>>) offsets(%dma_start3A_201 : memref<200xi32, #tpu.memory_space<vmem>>) semaphore(%arg14 : memref<!tpu.dma_semaphore, #tpu.memory_space<semaphore_mem>>)
      %add3A_205 = arith.constant 3 : i32
      %add3A_206 = arith.addi %mul3A_106, %add3A_205 : i32
      %mul3A_207 = arith.constant 200 : i32
      %mul3A_208 = arith.muli %add3A_206, %mul3A_207 : i32
      %dma_wait3A_209 = arith.constant 3 : i32
      %dma_wait3A_210 = arith.constant 0 : i32
      %dma_wait3A_211 = arith.constant 0 : i32
      %dma_wait3A_212 = tpu.memref_slice %arg9[%dma_wait3A_209, %dma_wait3A_210, %dma_wait3A_211] : memref<4x200x64xbf16, #tpu.memory_space<vmem>> -> memref<1x200x64xbf16, #tpu.memory_space<vmem>>
      %dma_wait3A_213 = tpu.memref_squeeze %dma_wait3A_212 : memref<1x200x64xbf16, #tpu.memory_space<vmem>> -> memref<200x64xbf16, #tpu.memory_space<vmem>>
      %dma_wait3A_214 = tpu.memref_slice %arg7[%mul3A_208] : memref<20000xi32, #tpu.memory_space<vmem>> -> memref<200xi32, #tpu.memory_space<vmem>>
      %dma_wait3A_215 = arith.constant 0 : i32
      %dma_wait3A_216 = arith.constant 0 : i32
      %dma_wait3A_217 = tpu.memref_slice %arg10[%dma_wait3A_215, %dma_wait3A_216] : memref<10000x64xbf16, #tpu.memory_space<vmem_shared>> -> memref<10000x64xbf16, #tpu.memory_space<vmem_shared>>
      tpu.wait_indirect_dma semaphore(%arg15 : memref<!tpu.dma_semaphore, #tpu.memory_space<semaphore_mem>>) src(%dma_wait3A_217 : memref<10000x64xbf16, #tpu.memory_space<vmem_shared>>) dst(%dma_wait3A_213 : memref<200x64xbf16, #tpu.memory_space<vmem>>)
      %add3A_218 = arith.constant 3 : i32
      %add3A_219 = arith.addi %mul3A_106, %add3A_218 : i32
      %mul3A_220 = arith.constant 200 : i32
      %mul3A_221 = arith.muli %add3A_219, %mul3A_220 : i32
      %run_scoped3A_222 = arith.constant 3 : i32
      "tpu.region"() ({
        %run_scoped3A_238 = tpu.sem_alloc : memref<!tpu.dma_semaphore, #tpu.memory_space<semaphore_mem>>
        %dma_start3A_239 = arith.constant 0 : i32
        %dma_start3A_240 = arith.constant 0 : i32
        %dma_start3A_241 = tpu.memref_slice %arg9[%run_scoped3A_222, %dma_start3A_239, %dma_start3A_240] : memref<4x200x64xbf16, #tpu.memory_space<vmem>> -> memref<1x200x64xbf16, #tpu.memory_space<vmem>>
        %dma_start3A_242 = tpu.memref_squeeze %dma_start3A_241 : memref<1x200x64xbf16, #tpu.memory_space<vmem>> -> memref<200x64xbf16, #tpu.memory_space<vmem>>
        %dma_start3A_243 = tpu.memref_slice %arg8[%mul3A_221] : memref<20000xi32, #tpu.memory_space<vmem>> -> memref<200xi32, #tpu.memory_space<vmem>>
        %dma_start3A_244 = arith.constant 0 : i32
        %dma_start3A_245 = arith.constant 0 : i32
        %dma_start3A_246 = tpu.memref_slice %arg11[%dma_start3A_244, %dma_start3A_245] : memref<10240x64xbf16, #tpu.memory_space<vmem_shared>> -> memref<10240x64xbf16, #tpu.memory_space<vmem_shared>>
        tpu.enqueue_indirect_dma source(%dma_start3A_242 : memref<200x64xbf16, #tpu.memory_space<vmem>>) target(%dma_start3A_246 : memref<10240x64xbf16, #tpu.memory_space<vmem_shared>>) offsets(%dma_start3A_243 : memref<200xi32, #tpu.memory_space<vmem>>) semaphore(%run_scoped3A_238 : memref<!tpu.dma_semaphore, #tpu.memory_space<semaphore_mem>>) {add = true}
        %dma_wait3A_247 = arith.constant 0 : i32
        %dma_wait3A_248 = arith.constant 0 : i32
        %dma_wait3A_249 = tpu.memref_slice %arg9[%run_scoped3A_222, %dma_wait3A_247, %dma_wait3A_248] : memref<4x200x64xbf16, #tpu.memory_space<vmem>> -> memref<1x200x64xbf16, #tpu.memory_space<vmem>>
        %dma_wait3A_250 = tpu.memref_squeeze %dma_wait3A_249 : memref<1x200x64xbf16, #tpu.memory_space<vmem>> -> memref<200x64xbf16, #tpu.memory_space<vmem>>
        %dma_wait3A_251 = tpu.memref_slice %arg8[%mul3A_221] : memref<20000xi32, #tpu.memory_space<vmem>> -> memref<200xi32, #tpu.memory_space<vmem>>
        %dma_wait3A_252 = arith.constant 0 : i32
        %dma_wait3A_253 = arith.constant 0 : i32
        %dma_wait3A_254 = tpu.memref_slice %arg11[%dma_wait3A_252, %dma_wait3A_253] : memref<10240x64xbf16, #tpu.memory_space<vmem_shared>> -> memref<10240x64xbf16, #tpu.memory_space<vmem_shared>>
        tpu.wait_indirect_dma semaphore(%run_scoped3A_238 : memref<!tpu.dma_semaphore, #tpu.memory_space<semaphore_mem>>) src(%dma_wait3A_250 : memref<200x64xbf16, #tpu.memory_space<vmem>>) dst(%dma_wait3A_254 : memref<10240x64xbf16, #tpu.memory_space<vmem_shared>>)
        tpu.yield
      }) : () -> ()
      %add3A_223 = arith.constant 4 : i32
      %add3A_224 = arith.addi %mul3A_106, %add3A_223 : i32
      %add3A_225 = arith.constant 3 : i32
      %add3A_226 = arith.addi %add3A_224, %add3A_225 : i32
      %mul3A_227 = arith.constant 200 : i32
      %mul3A_228 = arith.muli %add3A_226, %mul3A_227 : i32
      %dma_start3A_229 = arith.constant 3 : i32
      %dma_start3A_230 = arith.constant 0 : i32
      %dma_start3A_231 = arith.constant 0 : i32
      %dma_start3A_232 = tpu.memref_slice %arg9[%dma_start3A_229, %dma_start3A_230, %dma_start3A_231] : memref<4x200x64xbf16, #tpu.memory_space<vmem>> -> memref<1x200x64xbf16, #tpu.memory_space<vmem>>
      %dma_start3A_233 = tpu.memref_squeeze %dma_start3A_232 : memref<1x200x64xbf16, #tpu.memory_space<vmem>> -> memref<200x64xbf16, #tpu.memory_space<vmem>>
      %dma_start3A_234 = tpu.memref_slice %arg7[%mul3A_228] : memref<20000xi32, #tpu.memory_space<vmem>> -> memref<200xi32, #tpu.memory_space<vmem>>
      %dma_start3A_235 = arith.constant 0 : i32
      %dma_start3A_236 = arith.constant 0 : i32
      %dma_start3A_237 = tpu.memref_slice %arg10[%dma_start3A_235, %dma_start3A_236] : memref<10000x64xbf16, #tpu.memory_space<vmem_shared>> -> memref<10000x64xbf16, #tpu.memory_space<vmem_shared>>
      tpu.enqueue_indirect_dma source(%dma_start3A_237 : memref<10000x64xbf16, #tpu.memory_space<vmem_shared>>) target(%dma_start3A_233 : memref<200x64xbf16, #tpu.memory_space<vmem>>) offsets(%dma_start3A_234 : memref<200xi32, #tpu.memory_space<vmem>>) semaphore(%arg15 : memref<!tpu.dma_semaphore, #tpu.memory_space<semaphore_mem>>)
    }
    %scan3A_54 = arith.constant 24 : i32
    %dma_wait3A = arith.constant 0 : i32
    %dma_wait3A_55 = arith.constant 0 : i32
    %dma_wait3A_56 = arith.constant 0 : i32
    %dma_wait3A_57 = tpu.memref_slice %arg9[%dma_wait3A, %dma_wait3A_55, %dma_wait3A_56] : memref<4x200x64xbf16, #tpu.memory_space<vmem>> -> memref<1x200x64xbf16, #tpu.memory_space<vmem>>
    %dma_wait3A_58 = tpu.memref_squeeze %dma_wait3A_57 : memref<1x200x64xbf16, #tpu.memory_space<vmem>> -> memref<200x64xbf16, #tpu.memory_space<vmem>>
    %dma_wait3A_59 = arith.constant 19200 : i32
    %dma_wait3A_60 = tpu.memref_slice %arg7[%dma_wait3A_59] : memref<20000xi32, #tpu.memory_space<vmem>> -> memref<200xi32, #tpu.memory_space<vmem>>
    %dma_wait3A_61 = arith.constant 0 : i32
    %dma_wait3A_62 = arith.constant 0 : i32
    %dma_wait3A_63 = tpu.memref_slice %arg10[%dma_wait3A_61, %dma_wait3A_62] : memref<10000x64xbf16, #tpu.memory_space<vmem_shared>> -> memref<10000x64xbf16, #tpu.memory_space<vmem_shared>>
    tpu.wait_indirect_dma semaphore(%arg12 : memref<!tpu.dma_semaphore, #tpu.memory_space<semaphore_mem>>) src(%dma_wait3A_63 : memref<10000x64xbf16, #tpu.memory_space<vmem_shared>>) dst(%dma_wait3A_58 : memref<200x64xbf16, #tpu.memory_space<vmem>>)
    %run_scoped3A = arith.constant 0 : i32
    "tpu.region"() ({
      %run_scoped3A_104 = tpu.sem_alloc : memref<!tpu.dma_semaphore, #tpu.memory_space<semaphore_mem>>
      %dma_start3A_105 = arith.constant 0 : i32
      %dma_start3A_106 = arith.constant 0 : i32
      %dma_start3A_107 = tpu.memref_slice %arg9[%run_scoped3A, %dma_start3A_105, %dma_start3A_106] : memref<4x200x64xbf16, #tpu.memory_space<vmem>> -> memref<1x200x64xbf16, #tpu.memory_space<vmem>>
      %dma_start3A_108 = tpu.memref_squeeze %dma_start3A_107 : memref<1x200x64xbf16, #tpu.memory_space<vmem>> -> memref<200x64xbf16, #tpu.memory_space<vmem>>
      %dma_start3A_109 = arith.constant 19200 : i32
      %dma_start3A_110 = tpu.memref_slice %arg8[%dma_start3A_109] : memref<20000xi32, #tpu.memory_space<vmem>> -> memref<200xi32, #tpu.memory_space<vmem>>
      %dma_start3A_111 = arith.constant 0 : i32
      %dma_start3A_112 = arith.constant 0 : i32
      %dma_start3A_113 = tpu.memref_slice %arg11[%dma_start3A_111, %dma_start3A_112] : memref<10240x64xbf16, #tpu.memory_space<vmem_shared>> -> memref<10240x64xbf16, #tpu.memory_space<vmem_shared>>
      tpu.enqueue_indirect_dma source(%dma_start3A_108 : memref<200x64xbf16, #tpu.memory_space<vmem>>) target(%dma_start3A_113 : memref<10240x64xbf16, #tpu.memory_space<vmem_shared>>) offsets(%dma_start3A_110 : memref<200xi32, #tpu.memory_space<vmem>>) semaphore(%run_scoped3A_104 : memref<!tpu.dma_semaphore, #tpu.memory_space<semaphore_mem>>) {add = true}
      %dma_wait3A_114 = arith.constant 0 : i32
      %dma_wait3A_115 = arith.constant 0 : i32
      %dma_wait3A_116 = tpu.memref_slice %arg9[%run_scoped3A, %dma_wait3A_114, %dma_wait3A_115] : memref<4x200x64xbf16, #tpu.memory_space<vmem>> -> memref<1x200x64xbf16, #tpu.memory_space<vmem>>
      %dma_wait3A_117 = tpu.memref_squeeze %dma_wait3A_116 : memref<1x200x64xbf16, #tpu.memory_space<vmem>> -> memref<200x64xbf16, #tpu.memory_space<vmem>>
      %dma_wait3A_118 = arith.constant 19200 : i32
      %dma_wait3A_119 = tpu.memref_slice %arg8[%dma_wait3A_118] : memref<20000xi32, #tpu.memory_space<vmem>> -> memref<200xi32, #tpu.memory_space<vmem>>
      %dma_wait3A_120 = arith.constant 0 : i32
      %dma_wait3A_121 = arith.constant 0 : i32
      %dma_wait3A_122 = tpu.memref_slice %arg11[%dma_wait3A_120, %dma_wait3A_121] : memref<10240x64xbf16, #tpu.memory_space<vmem_shared>> -> memref<10240x64xbf16, #tpu.memory_space<vmem_shared>>
      tpu.wait_indirect_dma semaphore(%run_scoped3A_104 : memref<!tpu.dma_semaphore, #tpu.memory_space<semaphore_mem>>) src(%dma_wait3A_117 : memref<200x64xbf16, #tpu.memory_space<vmem>>) dst(%dma_wait3A_122 : memref<10240x64xbf16, #tpu.memory_space<vmem_shared>>)
      tpu.yield
    }) : () -> ()
    %dma_wait3A_64 = arith.constant 1 : i32
    %dma_wait3A_65 = arith.constant 0 : i32
    %dma_wait3A_66 = arith.constant 0 : i32
    %dma_wait3A_67 = tpu.memref_slice %arg9[%dma_wait3A_64, %dma_wait3A_65, %dma_wait3A_66] : memref<4x200x64xbf16, #tpu.memory_space<vmem>> -> memref<1x200x64xbf16, #tpu.memory_space<vmem>>
    %dma_wait3A_68 = tpu.memref_squeeze %dma_wait3A_67 : memref<1x200x64xbf16, #tpu.memory_space<vmem>> -> memref<200x64xbf16, #tpu.memory_space<vmem>>
    %dma_wait3A_69 = arith.constant 19400 : i32
    %dma_wait3A_70 = tpu.memref_slice %arg7[%dma_wait3A_69] : memref<20000xi32, #tpu.memory_space<vmem>> -> memref<200xi32, #tpu.memory_space<vmem>>
    %dma_wait3A_71 = arith.constant 0 : i32
    %dma_wait3A_72 = arith.constant 0 : i32
    %dma_wait3A_73 = tpu.memref_slice %arg10[%dma_wait3A_71, %dma_wait3A_72] : memref<10000x64xbf16, #tpu.memory_space<vmem_shared>> -> memref<10000x64xbf16, #tpu.memory_space<vmem_shared>>
    tpu.wait_indirect_dma semaphore(%arg13 : memref<!tpu.dma_semaphore, #tpu.memory_space<semaphore_mem>>) src(%dma_wait3A_73 : memref<10000x64xbf16, #tpu.memory_space<vmem_shared>>) dst(%dma_wait3A_68 : memref<200x64xbf16, #tpu.memory_space<vmem>>)
    %run_scoped3A_74 = arith.constant 1 : i32
    "tpu.region"() ({
      %run_scoped3A_104 = tpu.sem_alloc : memref<!tpu.dma_semaphore, #tpu.memory_space<semaphore_mem>>
      %dma_start3A_105 = arith.constant 0 : i32
      %dma_start3A_106 = arith.constant 0 : i32
      %dma_start3A_107 = tpu.memref_slice %arg9[%run_scoped3A_74, %dma_start3A_105, %dma_start3A_106] : memref<4x200x64xbf16, #tpu.memory_space<vmem>> -> memref<1x200x64xbf16, #tpu.memory_space<vmem>>
      %dma_start3A_108 = tpu.memref_squeeze %dma_start3A_107 : memref<1x200x64xbf16, #tpu.memory_space<vmem>> -> memref<200x64xbf16, #tpu.memory_space<vmem>>
      %dma_start3A_109 = arith.constant 19400 : i32
      %dma_start3A_110 = tpu.memref_slice %arg8[%dma_start3A_109] : memref<20000xi32, #tpu.memory_space<vmem>> -> memref<200xi32, #tpu.memory_space<vmem>>
      %dma_start3A_111 = arith.constant 0 : i32
      %dma_start3A_112 = arith.constant 0 : i32
      %dma_start3A_113 = tpu.memref_slice %arg11[%dma_start3A_111, %dma_start3A_112] : memref<10240x64xbf16, #tpu.memory_space<vmem_shared>> -> memref<10240x64xbf16, #tpu.memory_space<vmem_shared>>
      tpu.enqueue_indirect_dma source(%dma_start3A_108 : memref<200x64xbf16, #tpu.memory_space<vmem>>) target(%dma_start3A_113 : memref<10240x64xbf16, #tpu.memory_space<vmem_shared>>) offsets(%dma_start3A_110 : memref<200xi32, #tpu.memory_space<vmem>>) semaphore(%run_scoped3A_104 : memref<!tpu.dma_semaphore, #tpu.memory_space<semaphore_mem>>) {add = true}
      %dma_wait3A_114 = arith.constant 0 : i32
      %dma_wait3A_115 = arith.constant 0 : i32
      %dma_wait3A_116 = tpu.memref_slice %arg9[%run_scoped3A_74, %dma_wait3A_114, %dma_wait3A_115] : memref<4x200x64xbf16, #tpu.memory_space<vmem>> -> memref<1x200x64xbf16, #tpu.memory_space<vmem>>
      %dma_wait3A_117 = tpu.memref_squeeze %dma_wait3A_116 : memref<1x200x64xbf16, #tpu.memory_space<vmem>> -> memref<200x64xbf16, #tpu.memory_space<vmem>>
      %dma_wait3A_118 = arith.constant 19400 : i32
      %dma_wait3A_119 = tpu.memref_slice %arg8[%dma_wait3A_118] : memref<20000xi32, #tpu.memory_space<vmem>> -> memref<200xi32, #tpu.memory_space<vmem>>
      %dma_wait3A_120 = arith.constant 0 : i32
      %dma_wait3A_121 = arith.constant 0 : i32
      %dma_wait3A_122 = tpu.memref_slice %arg11[%dma_wait3A_120, %dma_wait3A_121] : memref<10240x64xbf16, #tpu.memory_space<vmem_shared>> -> memref<10240x64xbf16, #tpu.memory_space<vmem_shared>>
      tpu.wait_indirect_dma semaphore(%run_scoped3A_104 : memref<!tpu.dma_semaphore, #tpu.memory_space<semaphore_mem>>) src(%dma_wait3A_117 : memref<200x64xbf16, #tpu.memory_space<vmem>>) dst(%dma_wait3A_122 : memref<10240x64xbf16, #tpu.memory_space<vmem_shared>>)
      tpu.yield
    }) : () -> ()
    %dma_wait3A_75 = arith.constant 2 : i32
    %dma_wait3A_76 = arith.constant 0 : i32
    %dma_wait3A_77 = arith.constant 0 : i32
    %dma_wait3A_78 = tpu.memref_slice %arg9[%dma_wait3A_75, %dma_wait3A_76, %dma_wait3A_77] : memref<4x200x64xbf16, #tpu.memory_space<vmem>> -> memref<1x200x64xbf16, #tpu.memory_space<vmem>>
    %dma_wait3A_79 = tpu.memref_squeeze %dma_wait3A_78 : memref<1x200x64xbf16, #tpu.memory_space<vmem>> -> memref<200x64xbf16, #tpu.memory_space<vmem>>
    %dma_wait3A_80 = arith.constant 19600 : i32
    %dma_wait3A_81 = tpu.memref_slice %arg7[%dma_wait3A_80] : memref<20000xi32, #tpu.memory_space<vmem>> -> memref<200xi32, #tpu.memory_space<vmem>>
    %dma_wait3A_82 = arith.constant 0 : i32
    %dma_wait3A_83 = arith.constant 0 : i32
    %dma_wait3A_84 = tpu.memref_slice %arg10[%dma_wait3A_82, %dma_wait3A_83] : memref<10000x64xbf16, #tpu.memory_space<vmem_shared>> -> memref<10000x64xbf16, #tpu.memory_space<vmem_shared>>
    tpu.wait_indirect_dma semaphore(%arg14 : memref<!tpu.dma_semaphore, #tpu.memory_space<semaphore_mem>>) src(%dma_wait3A_84 : memref<10000x64xbf16, #tpu.memory_space<vmem_shared>>) dst(%dma_wait3A_79 : memref<200x64xbf16, #tpu.memory_space<vmem>>)
    %run_scoped3A_85 = arith.constant 2 : i32
    "tpu.region"() ({
      %run_scoped3A_104 = tpu.sem_alloc : memref<!tpu.dma_semaphore, #tpu.memory_space<semaphore_mem>>
      %dma_start3A_105 = arith.constant 0 : i32
      %dma_start3A_106 = arith.constant 0 : i32
      %dma_start3A_107 = tpu.memref_slice %arg9[%run_scoped3A_85, %dma_start3A_105, %dma_start3A_106] : memref<4x200x64xbf16, #tpu.memory_space<vmem>> -> memref<1x200x64xbf16, #tpu.memory_space<vmem>>
      %dma_start3A_108 = tpu.memref_squeeze %dma_start3A_107 : memref<1x200x64xbf16, #tpu.memory_space<vmem>> -> memref<200x64xbf16, #tpu.memory_space<vmem>>
      %dma_start3A_109 = arith.constant 19600 : i32
      %dma_start3A_110 = tpu.memref_slice %arg8[%dma_start3A_109] : memref<20000xi32, #tpu.memory_space<vmem>> -> memref<200xi32, #tpu.memory_space<vmem>>
      %dma_start3A_111 = arith.constant 0 : i32
      %dma_start3A_112 = arith.constant 0 : i32
      %dma_start3A_113 = tpu.memref_slice %arg11[%dma_start3A_111, %dma_start3A_112] : memref<10240x64xbf16, #tpu.memory_space<vmem_shared>> -> memref<10240x64xbf16, #tpu.memory_space<vmem_shared>>
      tpu.enqueue_indirect_dma source(%dma_start3A_108 : memref<200x64xbf16, #tpu.memory_space<vmem>>) target(%dma_start3A_113 : memref<10240x64xbf16, #tpu.memory_space<vmem_shared>>) offsets(%dma_start3A_110 : memref<200xi32, #tpu.memory_space<vmem>>) semaphore(%run_scoped3A_104 : memref<!tpu.dma_semaphore, #tpu.memory_space<semaphore_mem>>) {add = true}
      %dma_wait3A_114 = arith.constant 0 : i32
      %dma_wait3A_115 = arith.constant 0 : i32
      %dma_wait3A_116 = tpu.memref_slice %arg9[%run_scoped3A_85, %dma_wait3A_114, %dma_wait3A_115] : memref<4x200x64xbf16, #tpu.memory_space<vmem>> -> memref<1x200x64xbf16, #tpu.memory_space<vmem>>
      %dma_wait3A_117 = tpu.memref_squeeze %dma_wait3A_116 : memref<1x200x64xbf16, #tpu.memory_space<vmem>> -> memref<200x64xbf16, #tpu.memory_space<vmem>>
      %dma_wait3A_118 = arith.constant 19600 : i32
      %dma_wait3A_119 = tpu.memref_slice %arg8[%dma_wait3A_118] : memref<20000xi32, #tpu.memory_space<vmem>> -> memref<200xi32, #tpu.memory_space<vmem>>
      %dma_wait3A_120 = arith.constant 0 : i32
      %dma_wait3A_121 = arith.constant 0 : i32
      %dma_wait3A_122 = tpu.memref_slice %arg11[%dma_wait3A_120, %dma_wait3A_121] : memref<10240x64xbf16, #tpu.memory_space<vmem_shared>> -> memref<10240x64xbf16, #tpu.memory_space<vmem_shared>>
      tpu.wait_indirect_dma semaphore(%run_scoped3A_104 : memref<!tpu.dma_semaphore, #tpu.memory_space<semaphore_mem>>) src(%dma_wait3A_117 : memref<200x64xbf16, #tpu.memory_space<vmem>>) dst(%dma_wait3A_122 : memref<10240x64xbf16, #tpu.memory_space<vmem_shared>>)
      tpu.yield
    }) : () -> ()
    %dma_wait3A_86 = arith.constant 3 : i32
    %dma_wait3A_87 = arith.constant 0 : i32
    %dma_wait3A_88 = arith.constant 0 : i32
    %dma_wait3A_89 = tpu.memref_slice %arg9[%dma_wait3A_86, %dma_wait3A_87, %dma_wait3A_88] : memref<4x200x64xbf16, #tpu.memory_space<vmem>> -> memref<1x200x64xbf16, #tpu.memory_space<vmem>>
    %dma_wait3A_90 = tpu.memref_squeeze %dma_wait3A_89 : memref<1x200x64xbf16, #tpu.memory_space<vmem>> -> memref<200x64xbf16, #tpu.memory_space<vmem>>
    %dma_wait3A_91 = arith.constant 19800 : i32
    %dma_wait3A_92 = tpu.memref_slice %arg7[%dma_wait3A_91] : memref<20000xi32, #tpu.memory_space<vmem>> -> memref<200xi32, #tpu.memory_space<vmem>>
    %dma_wait3A_93 = arith.constant 0 : i32
    %dma_wait3A_94 = arith.constant 0 : i32
    %dma_wait3A_95 = tpu.memref_slice %arg10[%dma_wait3A_93, %dma_wait3A_94] : memref<10000x64xbf16, #tpu.memory_space<vmem_shared>> -> memref<10000x64xbf16, #tpu.memory_space<vmem_shared>>
    tpu.wait_indirect_dma semaphore(%arg15 : memref<!tpu.dma_semaphore, #tpu.memory_space<semaphore_mem>>) src(%dma_wait3A_95 : memref<10000x64xbf16, #tpu.memory_space<vmem_shared>>) dst(%dma_wait3A_90 : memref<200x64xbf16, #tpu.memory_space<vmem>>)
    %run_scoped3A_96 = arith.constant 3 : i32
    "tpu.region"() ({
      %run_scoped3A_104 = tpu.sem_alloc : memref<!tpu.dma_semaphore, #tpu.memory_space<semaphore_mem>>
      %dma_start3A_105 = arith.constant 0 : i32
      %dma_start3A_106 = arith.constant 0 : i32
      %dma_start3A_107 = tpu.memref_slice %arg9[%run_scoped3A_96, %dma_start3A_105, %dma_start3A_106] : memref<4x200x64xbf16, #tpu.memory_space<vmem>> -> memref<1x200x64xbf16, #tpu.memory_space<vmem>>
      %dma_start3A_108 = tpu.memref_squeeze %dma_start3A_107 : memref<1x200x64xbf16, #tpu.memory_space<vmem>> -> memref<200x64xbf16, #tpu.memory_space<vmem>>
      %dma_start3A_109 = arith.constant 19800 : i32
      %dma_start3A_110 = tpu.memref_slice %arg8[%dma_start3A_109] : memref<20000xi32, #tpu.memory_space<vmem>> -> memref<200xi32, #tpu.memory_space<vmem>>
      %dma_start3A_111 = arith.constant 0 : i32
      %dma_start3A_112 = arith.constant 0 : i32
      %dma_start3A_113 = tpu.memref_slice %arg11[%dma_start3A_111, %dma_start3A_112] : memref<10240x64xbf16, #tpu.memory_space<vmem_shared>> -> memref<10240x64xbf16, #tpu.memory_space<vmem_shared>>
      tpu.enqueue_indirect_dma source(%dma_start3A_108 : memref<200x64xbf16, #tpu.memory_space<vmem>>) target(%dma_start3A_113 : memref<10240x64xbf16, #tpu.memory_space<vmem_shared>>) offsets(%dma_start3A_110 : memref<200xi32, #tpu.memory_space<vmem>>) semaphore(%run_scoped3A_104 : memref<!tpu.dma_semaphore, #tpu.memory_space<semaphore_mem>>) {add = true}
      %dma_wait3A_114 = arith.constant 0 : i32
      %dma_wait3A_115 = arith.constant 0 : i32
      %dma_wait3A_116 = tpu.memref_slice %arg9[%run_scoped3A_96, %dma_wait3A_114, %dma_wait3A_115] : memref<4x200x64xbf16, #tpu.memory_space<vmem>> -> memref<1x200x64xbf16, #tpu.memory_space<vmem>>
      %dma_wait3A_117 = tpu.memref_squeeze %dma_wait3A_116 : memref<1x200x64xbf16, #tpu.memory_space<vmem>> -> memref<200x64xbf16, #tpu.memory_space<vmem>>
      %dma_wait3A_118 = arith.constant 19800 : i32
      %dma_wait3A_119 = tpu.memref_slice %arg8[%dma_wait3A_118] : memref<20000xi32, #tpu.memory_space<vmem>> -> memref<200xi32, #tpu.memory_space<vmem>>
      %dma_wait3A_120 = arith.constant 0 : i32
      %dma_wait3A_121 = arith.constant 0 : i32
      %dma_wait3A_122 = tpu.memref_slice %arg11[%dma_wait3A_120, %dma_wait3A_121] : memref<10240x64xbf16, #tpu.memory_space<vmem_shared>> -> memref<10240x64xbf16, #tpu.memory_space<vmem_shared>>
      tpu.wait_indirect_dma semaphore(%run_scoped3A_104 : memref<!tpu.dma_semaphore, #tpu.memory_space<semaphore_mem>>) src(%dma_wait3A_117 : memref<200x64xbf16, #tpu.memory_space<vmem>>) dst(%dma_wait3A_122 : memref<10240x64xbf16, #tpu.memory_space<vmem_shared>>)
      tpu.yield
    }) : () -> ()
    %barrier3A_97 = arith.constant 0 : index
    tpu.barrier barrier_id(%barrier3A_97)
    %mul3A_98 = arith.constant 640 : i32
    %mul3A_99 = arith.muli %arg1, %mul3A_98 : i32
    %mul3A_100 = arith.constant 640 : i32
    %mul3A_101 = arith.muli %arg1, %mul3A_100 : i32
    %mul3A_102 = arith.constant 64 : i32
    %mul3A_103 = arith.muli %arg0, %mul3A_102 : i32
    "tpu.region"() ({
      %run_scoped3A_104 = tpu.sem_alloc : memref<!tpu.dma_semaphore, #tpu.memory_space<semaphore_mem>>
      %dma_start3A_105 = tpu.memref_slice %arg6[%mul3A_101, %mul3A_103] : memref<10240x128xbf16, #tpu.memory_space<hbm>> -> memref<640x64xbf16, #tpu.memory_space<hbm>>
      %dma_start3A_106 = arith.constant 0 : i32
      %dma_start3A_107 = tpu.memref_slice %arg11[%mul3A_99, %dma_start3A_106] : memref<10240x64xbf16, #tpu.memory_space<vmem_shared>> -> memref<640x64xbf16, #tpu.memory_space<vmem_shared>>
      tpu.enqueue_dma source(%dma_start3A_107 : memref<640x64xbf16, #tpu.memory_space<vmem_shared>>) target(%dma_start3A_105 : memref<640x64xbf16, #tpu.memory_space<hbm>>) target_semaphore(%run_scoped3A_104 : memref<!tpu.dma_semaphore, #tpu.memory_space<semaphore_mem>>)
      %dma_wait3A_108 = tpu.memref_slice %arg6[%mul3A_101, %mul3A_103] : memref<10240x128xbf16, #tpu.memory_space<hbm>> -> memref<640x64xbf16, #tpu.memory_space<hbm>>
      %dma_wait3A_109 = arith.constant 0 : i32
      %dma_wait3A_110 = tpu.memref_slice %arg11[%mul3A_99, %dma_wait3A_109] : memref<10240x64xbf16, #tpu.memory_space<vmem_shared>> -> memref<640x64xbf16, #tpu.memory_space<vmem_shared>>
      tpu.wait_dma2 semaphore(%run_scoped3A_104 : memref<!tpu.dma_semaphore, #tpu.memory_space<semaphore_mem>>) src(%dma_wait3A_110 : memref<640x64xbf16, #tpu.memory_space<vmem_shared>>) dst(%dma_wait3A_108 : memref<640x64xbf16, #tpu.memory_space<hbm>>)
      tpu.yield
    }) : () -> ()
    return
  }
}

#map = affine_map<(d0, d1) -> (0, 0)>
#map1 = affine_map<(d0, d1) -> (0)>
module attributes {stable_mosaic.version = 14 : i64} {
  func.func @_sc_agg(%arg0: i32, %arg1: i32, %arg2: memref<10000x128xbf16, #tpu.memory_space<hbm>>, %arg3: memref<320000xi32, #tpu.memory_space<hbm>>, %arg4: memref<320000xi32, #tpu.memory_space<hbm>>, %arg5: memref<640x64xbf16, #tpu.memory_space<hbm>>, %arg6: memref<10240x128xbf16, #tpu.memory_space<hbm>>, %arg7: memref<20000xi32, #tpu.memory_space<vmem>>, %arg8: memref<20000xi32, #tpu.memory_space<vmem>>, %arg9: memref<4x200x64xbf16, #tpu.memory_space<vmem>>, %arg10: memref<10000x64xbf16, #tpu.memory_space<vmem_shared>>, %arg11: memref<10240x64xbf16, #tpu.memory_space<vmem_shared>>, %arg12: memref<!tpu.dma_semaphore, #tpu.memory_space<semaphore_mem>>, %arg13: memref<!tpu.dma_semaphore, #tpu.memory_space<semaphore_mem>>, %arg14: memref<!tpu.dma_semaphore, #tpu.memory_space<semaphore_mem>>, %arg15: memref<!tpu.dma_semaphore, #tpu.memory_space<semaphore_mem>>) attributes {dimension_semantics = [#tpu.dimension_semantics<core_parallel>, #tpu.dimension_semantics<subcore_parallel>], iteration_bounds = array<i64: 2, 16>, scalar_prefetch = 0 : i64, scratch_operands = 9 : i64, tpu.core_type = #tpu.core_type<sc_vector_subcore>, window_params = [{transform_indices = #map}, {transform_indices = #map1}, {transform_indices = #map1}, {transform_indices = #map}, {transform_indices = #map}]} {
    %mul3A = arith.constant 625 : i32
    %mul3A_0 = arith.muli %arg1, %mul3A : i32
    %mul3A_1 = arith.constant 64 : i32
    %mul3A_2 = arith.muli %arg0, %mul3A_1 : i32
    %mul3A_3 = arith.constant 625 : i32
    %mul3A_4 = arith.muli %arg1, %mul3A_3 : i32
    "tpu.region"() ({
      %run_scoped3A_104 = tpu.sem_alloc : memref<!tpu.dma_semaphore, #tpu.memory_space<semaphore_mem>>
      %dma_start3A_105 = arith.constant 0 : i32
      %dma_start3A_106 = tpu.memref_slice %arg10[%mul3A_4, %dma_start3A_105] : memref<10000x64xbf16, #tpu.memory_space<vmem_shared>> -> memref<625x64xbf16, #tpu.memory_space<vmem_shared>>
      %dma_start3A_107 = tpu.memref_slice %arg2[%mul3A_0, %mul3A_2] : memref<10000x128xbf16, #tpu.memory_space<hbm>> -> memref<625x64xbf16, #tpu.memory_space<hbm>>
      tpu.enqueue_dma source(%dma_start3A_107 : memref<625x64xbf16, #tpu.memory_space<hbm>>) target(%dma_start3A_106 : memref<625x64xbf16, #tpu.memory_space<vmem_shared>>) target_semaphore(%run_scoped3A_104 : memref<!tpu.dma_semaphore, #tpu.memory_space<semaphore_mem>>)
      %dma_wait3A_108 = arith.constant 0 : i32
      %dma_wait3A_109 = tpu.memref_slice %arg10[%mul3A_4, %dma_wait3A_108] : memref<10000x64xbf16, #tpu.memory_space<vmem_shared>> -> memref<625x64xbf16, #tpu.memory_space<vmem_shared>>
      %dma_wait3A_110 = tpu.memref_slice %arg2[%mul3A_0, %mul3A_2] : memref<10000x128xbf16, #tpu.memory_space<hbm>> -> memref<625x64xbf16, #tpu.memory_space<hbm>>
      tpu.wait_dma2 semaphore(%run_scoped3A_104 : memref<!tpu.dma_semaphore, #tpu.memory_space<semaphore_mem>>) src(%dma_wait3A_110 : memref<625x64xbf16, #tpu.memory_space<hbm>>) dst(%dma_wait3A_109 : memref<625x64xbf16, #tpu.memory_space<vmem_shared>>)
      tpu.yield
    }) : () -> ()
    %mul3A_5 = arith.constant 640 : i32
    %mul3A_6 = arith.muli %arg1, %mul3A_5 : i32
    "tpu.region"() ({
      %run_scoped3A_104 = tpu.sem_alloc : memref<!tpu.dma_semaphore, #tpu.memory_space<semaphore_mem>>
      %dma_start3A_105 = arith.constant 0 : i32
      %dma_start3A_106 = tpu.memref_slice %arg11[%mul3A_6, %dma_start3A_105] : memref<10240x64xbf16, #tpu.memory_space<vmem_shared>> -> memref<640x64xbf16, #tpu.memory_space<vmem_shared>>
      tpu.enqueue_dma source(%arg5 : memref<640x64xbf16, #tpu.memory_space<hbm>>) target(%dma_start3A_106 : memref<640x64xbf16, #tpu.memory_space<vmem_shared>>) target_semaphore(%run_scoped3A_104 : memref<!tpu.dma_semaphore, #tpu.memory_space<semaphore_mem>>)
      %dma_wait3A_107 = arith.constant 0 : i32
      %dma_wait3A_108 = tpu.memref_slice %arg11[%mul3A_6, %dma_wait3A_107] : memref<10240x64xbf16, #tpu.memory_space<vmem_shared>> -> memref<640x64xbf16, #tpu.memory_space<vmem_shared>>
      tpu.wait_dma2 semaphore(%run_scoped3A_104 : memref<!tpu.dma_semaphore, #tpu.memory_space<semaphore_mem>>) src(%arg5 : memref<640x64xbf16, #tpu.memory_space<hbm>>) dst(%dma_wait3A_108 : memref<640x64xbf16, #tpu.memory_space<vmem_shared>>)
      tpu.yield
    }) : () -> ()
    %mul3A_7 = arith.constant 20000 : i32
    %mul3A_8 = arith.muli %arg1, %mul3A_7 : i32
    "tpu.region"() ({
      %run_scoped3A_104 = tpu.sem_alloc : memref<!tpu.dma_semaphore, #tpu.memory_space<semaphore_mem>>
      %dma_start3A_105 = tpu.memref_slice %arg3[%mul3A_8] : memref<320000xi32, #tpu.memory_space<hbm>> -> memref<20000xi32, #tpu.memory_space<hbm>>
      %dma_start3A_106 = tpu.memref_slice %arg3[%mul3A_8] : memref<320000xi32, #tpu.memory_space<hbm>> -> memref<20000xi32, #tpu.memory_space<hbm>>
      tpu.enqueue_dma source(%dma_start3A_106 : memref<20000xi32, #tpu.memory_space<hbm>>) target(%arg7 : memref<20000xi32, #tpu.memory_space<vmem>>) target_semaphore(%run_scoped3A_104 : memref<!tpu.dma_semaphore, #tpu.memory_space<semaphore_mem>>)
      %dma_wait3A_107 = tpu.memref_slice %arg3[%mul3A_8] : memref<320000xi32, #tpu.memory_space<hbm>> -> memref<20000xi32, #tpu.memory_space<hbm>>
      %dma_wait3A_108 = tpu.memref_slice %arg3[%mul3A_8] : memref<320000xi32, #tpu.memory_space<hbm>> -> memref<20000xi32, #tpu.memory_space<hbm>>
      tpu.wait_dma2 semaphore(%run_scoped3A_104 : memref<!tpu.dma_semaphore, #tpu.memory_space<semaphore_mem>>) src(%dma_wait3A_108 : memref<20000xi32, #tpu.memory_space<hbm>>) dst(%arg7 : memref<20000xi32, #tpu.memory_space<vmem>>)
      tpu.yield
    }) : () -> ()
    %mul3A_9 = arith.constant 20000 : i32
    %mul3A_10 = arith.muli %arg1, %mul3A_9 : i32
    "tpu.region"() ({
      %run_scoped3A_104 = tpu.sem_alloc : memref<!tpu.dma_semaphore, #tpu.memory_space<semaphore_mem>>
      %dma_start3A_105 = tpu.memref_slice %arg4[%mul3A_10] : memref<320000xi32, #tpu.memory_space<hbm>> -> memref<20000xi32, #tpu.memory_space<hbm>>
      %dma_start3A_106 = tpu.memref_slice %arg4[%mul3A_10] : memref<320000xi32, #tpu.memory_space<hbm>> -> memref<20000xi32, #tpu.memory_space<hbm>>
      tpu.enqueue_dma source(%dma_start3A_106 : memref<20000xi32, #tpu.memory_space<hbm>>) target(%arg8 : memref<20000xi32, #tpu.memory_space<vmem>>) target_semaphore(%run_scoped3A_104 : memref<!tpu.dma_semaphore, #tpu.memory_space<semaphore_mem>>)
      %dma_wait3A_107 = tpu.memref_slice %arg4[%mul3A_10] : memref<320000xi32, #tpu.memory_space<hbm>> -> memref<20000xi32, #tpu.memory_space<hbm>>
      %dma_wait3A_108 = tpu.memref_slice %arg4[%mul3A_10] : memref<320000xi32, #tpu.memory_space<hbm>> -> memref<20000xi32, #tpu.memory_space<hbm>>
      tpu.wait_dma2 semaphore(%run_scoped3A_104 : memref<!tpu.dma_semaphore, #tpu.memory_space<semaphore_mem>>) src(%dma_wait3A_108 : memref<20000xi32, #tpu.memory_space<hbm>>) dst(%arg8 : memref<20000xi32, #tpu.memory_space<vmem>>)
      tpu.yield
    }) : () -> ()
    %barrier3A = arith.constant 0 : index
    tpu.barrier barrier_id(%barrier3A)
    %dma_start3A = arith.constant 0 : i32
    %dma_start3A_11 = arith.constant 0 : i32
    %dma_start3A_12 = arith.constant 0 : i32
    %dma_start3A_13 = tpu.memref_slice %arg9[%dma_start3A, %dma_start3A_11, %dma_start3A_12] : memref<4x200x64xbf16, #tpu.memory_space<vmem>> -> memref<1x200x64xbf16, #tpu.memory_space<vmem>>
    %dma_start3A_14 = tpu.memref_squeeze %dma_start3A_13 : memref<1x200x64xbf16, #tpu.memory_space<vmem>> -> memref<200x64xbf16, #tpu.memory_space<vmem>>
    %dma_start3A_15 = arith.constant 0 : i32
    %dma_start3A_16 = tpu.memref_slice %arg7[%dma_start3A_15] : memref<20000xi32, #tpu.memory_space<vmem>> -> memref<200xi32, #tpu.memory_space<vmem>>
    %dma_start3A_17 = arith.constant 0 : i32
    %dma_start3A_18 = arith.constant 0 : i32
    %dma_start3A_19 = tpu.memref_slice %arg10[%dma_start3A_17, %dma_start3A_18] : memref<10000x64xbf16, #tpu.memory_space<vmem_shared>> -> memref<10000x64xbf16, #tpu.memory_space<vmem_shared>>
    tpu.enqueue_indirect_dma source(%dma_start3A_19 : memref<10000x64xbf16, #tpu.memory_space<vmem_shared>>) target(%dma_start3A_14 : memref<200x64xbf16, #tpu.memory_space<vmem>>) offsets(%dma_start3A_16 : memref<200xi32, #tpu.memory_space<vmem>>) semaphore(%arg12 : memref<!tpu.dma_semaphore, #tpu.memory_space<semaphore_mem>>)
    %dma_start3A_20 = arith.constant 1 : i32
    %dma_start3A_21 = arith.constant 0 : i32
    %dma_start3A_22 = arith.constant 0 : i32
    %dma_start3A_23 = tpu.memref_slice %arg9[%dma_start3A_20, %dma_start3A_21, %dma_start3A_22] : memref<4x200x64xbf16, #tpu.memory_space<vmem>> -> memref<1x200x64xbf16, #tpu.memory_space<vmem>>
    %dma_start3A_24 = tpu.memref_squeeze %dma_start3A_23 : memref<1x200x64xbf16, #tpu.memory_space<vmem>> -> memref<200x64xbf16, #tpu.memory_space<vmem>>
    %dma_start3A_25 = arith.constant 200 : i32
    %dma_start3A_26 = tpu.memref_slice %arg7[%dma_start3A_25] : memref<20000xi32, #tpu.memory_space<vmem>> -> memref<200xi32, #tpu.memory_space<vmem>>
    %dma_start3A_27 = arith.constant 0 : i32
    %dma_start3A_28 = arith.constant 0 : i32
    %dma_start3A_29 = tpu.memref_slice %arg10[%dma_start3A_27, %dma_start3A_28] : memref<10000x64xbf16, #tpu.memory_space<vmem_shared>> -> memref<10000x64xbf16, #tpu.memory_space<vmem_shared>>
    tpu.enqueue_indirect_dma source(%dma_start3A_29 : memref<10000x64xbf16, #tpu.memory_space<vmem_shared>>) target(%dma_start3A_24 : memref<200x64xbf16, #tpu.memory_space<vmem>>) offsets(%dma_start3A_26 : memref<200xi32, #tpu.memory_space<vmem>>) semaphore(%arg13 : memref<!tpu.dma_semaphore, #tpu.memory_space<semaphore_mem>>)
    %dma_start3A_30 = arith.constant 2 : i32
    %dma_start3A_31 = arith.constant 0 : i32
    %dma_start3A_32 = arith.constant 0 : i32
    %dma_start3A_33 = tpu.memref_slice %arg9[%dma_start3A_30, %dma_start3A_31, %dma_start3A_32] : memref<4x200x64xbf16, #tpu.memory_space<vmem>> -> memref<1x200x64xbf16, #tpu.memory_space<vmem>>
    %dma_start3A_34 = tpu.memref_squeeze %dma_start3A_33 : memref<1x200x64xbf16, #tpu.memory_space<vmem>> -> memref<200x64xbf16, #tpu.memory_space<vmem>>
    %dma_start3A_35 = arith.constant 400 : i32
    %dma_start3A_36 = tpu.memref_slice %arg7[%dma_start3A_35] : memref<20000xi32, #tpu.memory_space<vmem>> -> memref<200xi32, #tpu.memory_space<vmem>>
    %dma_start3A_37 = arith.constant 0 : i32
    %dma_start3A_38 = arith.constant 0 : i32
    %dma_start3A_39 = tpu.memref_slice %arg10[%dma_start3A_37, %dma_start3A_38] : memref<10000x64xbf16, #tpu.memory_space<vmem_shared>> -> memref<10000x64xbf16, #tpu.memory_space<vmem_shared>>
    tpu.enqueue_indirect_dma source(%dma_start3A_39 : memref<10000x64xbf16, #tpu.memory_space<vmem_shared>>) target(%dma_start3A_34 : memref<200x64xbf16, #tpu.memory_space<vmem>>) offsets(%dma_start3A_36 : memref<200xi32, #tpu.memory_space<vmem>>) semaphore(%arg14 : memref<!tpu.dma_semaphore, #tpu.memory_space<semaphore_mem>>)
    %dma_start3A_40 = arith.constant 3 : i32
    %dma_start3A_41 = arith.constant 0 : i32
    %dma_start3A_42 = arith.constant 0 : i32
    %dma_start3A_43 = tpu.memref_slice %arg9[%dma_start3A_40, %dma_start3A_41, %dma_start3A_42] : memref<4x200x64xbf16, #tpu.memory_space<vmem>> -> memref<1x200x64xbf16, #tpu.memory_space<vmem>>
    %dma_start3A_44 = tpu.memref_squeeze %dma_start3A_43 : memref<1x200x64xbf16, #tpu.memory_space<vmem>> -> memref<200x64xbf16, #tpu.memory_space<vmem>>
    %dma_start3A_45 = arith.constant 600 : i32
    %dma_start3A_46 = tpu.memref_slice %arg7[%dma_start3A_45] : memref<20000xi32, #tpu.memory_space<vmem>> -> memref<200xi32, #tpu.memory_space<vmem>>
    %dma_start3A_47 = arith.constant 0 : i32
    %dma_start3A_48 = arith.constant 0 : i32
    %dma_start3A_49 = tpu.memref_slice %arg10[%dma_start3A_47, %dma_start3A_48] : memref<10000x64xbf16, #tpu.memory_space<vmem_shared>> -> memref<10000x64xbf16, #tpu.memory_space<vmem_shared>>
    tpu.enqueue_indirect_dma source(%dma_start3A_49 : memref<10000x64xbf16, #tpu.memory_space<vmem_shared>>) target(%dma_start3A_44 : memref<200x64xbf16, #tpu.memory_space<vmem>>) offsets(%dma_start3A_46 : memref<200xi32, #tpu.memory_space<vmem>>) semaphore(%arg15 : memref<!tpu.dma_semaphore, #tpu.memory_space<semaphore_mem>>)
    %scan3A = arith.constant 0 : i32
    %scan3A_50 = arith.constant 0 : i32
    %scan3A_51 = arith.constant 24 : i32
    %scan3A_52 = arith.addi %scan3A_50, %scan3A_51 : i32
    %scan3A_53 = arith.constant 1 : i32
    scf.for %scan3A_104 = %scan3A_50 to %scan3A_52 step %scan3A_53  : i32 {
      %mul3A_105 = arith.constant 4 : i32
      %mul3A_106 = arith.muli %scan3A_104, %mul3A_105 : i32
      %add3A = arith.constant 0 : i32
      %add3A_107 = arith.addi %mul3A_106, %add3A : i32
      %mul3A_108 = arith.constant 200 : i32
      %mul3A_109 = arith.muli %add3A_107, %mul3A_108 : i32
      %dma_wait3A_110 = arith.constant 0 : i32
      %dma_wait3A_111 = arith.constant 0 : i32
      %dma_wait3A_112 = arith.constant 0 : i32
      %dma_wait3A_113 = tpu.memref_slice %arg9[%dma_wait3A_110, %dma_wait3A_111, %dma_wait3A_112] : memref<4x200x64xbf16, #tpu.memory_space<vmem>> -> memref<1x200x64xbf16, #tpu.memory_space<vmem>>
      %dma_wait3A_114 = tpu.memref_squeeze %dma_wait3A_113 : memref<1x200x64xbf16, #tpu.memory_space<vmem>> -> memref<200x64xbf16, #tpu.memory_space<vmem>>
      %dma_wait3A_115 = tpu.memref_slice %arg7[%mul3A_109] : memref<20000xi32, #tpu.memory_space<vmem>> -> memref<200xi32, #tpu.memory_space<vmem>>
      %dma_wait3A_116 = arith.constant 0 : i32
      %dma_wait3A_117 = arith.constant 0 : i32
      %dma_wait3A_118 = tpu.memref_slice %arg10[%dma_wait3A_116, %dma_wait3A_117] : memref<10000x64xbf16, #tpu.memory_space<vmem_shared>> -> memref<10000x64xbf16, #tpu.memory_space<vmem_shared>>
      tpu.wait_indirect_dma semaphore(%arg12 : memref<!tpu.dma_semaphore, #tpu.memory_space<semaphore_mem>>) src(%dma_wait3A_118 : memref<10000x64xbf16, #tpu.memory_space<vmem_shared>>) dst(%dma_wait3A_114 : memref<200x64xbf16, #tpu.memory_space<vmem>>)
      %add3A_119 = arith.constant 0 : i32
      %add3A_120 = arith.addi %mul3A_106, %add3A_119 : i32
      %mul3A_121 = arith.constant 200 : i32
      %mul3A_122 = arith.muli %add3A_120, %mul3A_121 : i32
      %run_scoped3A_123 = arith.constant 0 : i32
      "tpu.region"() ({
        %run_scoped3A_238 = tpu.sem_alloc : memref<!tpu.dma_semaphore, #tpu.memory_space<semaphore_mem>>
        %dma_start3A_239 = arith.constant 0 : i32
        %dma_start3A_240 = arith.constant 0 : i32
        %dma_start3A_241 = tpu.memref_slice %arg9[%run_scoped3A_123, %dma_start3A_239, %dma_start3A_240] : memref<4x200x64xbf16, #tpu.memory_space<vmem>> -> memref<1x200x64xbf16, #tpu.memory_space<vmem>>
        %dma_start3A_242 = tpu.memref_squeeze %dma_start3A_241 : memref<1x200x64xbf16, #tpu.memory_space<vmem>> -> memref<200x64xbf16, #tpu.memory_space<vmem>>
        %dma_start3A_243 = tpu.memref_slice %arg8[%mul3A_122] : memref<20000xi32, #tpu.memory_space<vmem>> -> memref<200xi32, #tpu.memory_space<vmem>>
        %dma_start3A_244 = arith.constant 0 : i32
        %dma_start3A_245 = arith.constant 0 : i32
        %dma_start3A_246 = tpu.memref_slice %arg11[%dma_start3A_244, %dma_start3A_245] : memref<10240x64xbf16, #tpu.memory_space<vmem_shared>> -> memref<10240x64xbf16, #tpu.memory_space<vmem_shared>>
        tpu.enqueue_indirect_dma source(%dma_start3A_242 : memref<200x64xbf16, #tpu.memory_space<vmem>>) target(%dma_start3A_246 : memref<10240x64xbf16, #tpu.memory_space<vmem_shared>>) offsets(%dma_start3A_243 : memref<200xi32, #tpu.memory_space<vmem>>) semaphore(%run_scoped3A_238 : memref<!tpu.dma_semaphore, #tpu.memory_space<semaphore_mem>>) {add = true}
        %dma_wait3A_247 = arith.constant 0 : i32
        %dma_wait3A_248 = arith.constant 0 : i32
        %dma_wait3A_249 = tpu.memref_slice %arg9[%run_scoped3A_123, %dma_wait3A_247, %dma_wait3A_248] : memref<4x200x64xbf16, #tpu.memory_space<vmem>> -> memref<1x200x64xbf16, #tpu.memory_space<vmem>>
        %dma_wait3A_250 = tpu.memref_squeeze %dma_wait3A_249 : memref<1x200x64xbf16, #tpu.memory_space<vmem>> -> memref<200x64xbf16, #tpu.memory_space<vmem>>
        %dma_wait3A_251 = tpu.memref_slice %arg8[%mul3A_122] : memref<20000xi32, #tpu.memory_space<vmem>> -> memref<200xi32, #tpu.memory_space<vmem>>
        %dma_wait3A_252 = arith.constant 0 : i32
        %dma_wait3A_253 = arith.constant 0 : i32
        %dma_wait3A_254 = tpu.memref_slice %arg11[%dma_wait3A_252, %dma_wait3A_253] : memref<10240x64xbf16, #tpu.memory_space<vmem_shared>> -> memref<10240x64xbf16, #tpu.memory_space<vmem_shared>>
        tpu.wait_indirect_dma semaphore(%run_scoped3A_238 : memref<!tpu.dma_semaphore, #tpu.memory_space<semaphore_mem>>) src(%dma_wait3A_250 : memref<200x64xbf16, #tpu.memory_space<vmem>>) dst(%dma_wait3A_254 : memref<10240x64xbf16, #tpu.memory_space<vmem_shared>>)
        tpu.yield
      }) : () -> ()
      %add3A_124 = arith.constant 4 : i32
      %add3A_125 = arith.addi %mul3A_106, %add3A_124 : i32
      %add3A_126 = arith.constant 0 : i32
      %add3A_127 = arith.addi %add3A_125, %add3A_126 : i32
      %mul3A_128 = arith.constant 200 : i32
      %mul3A_129 = arith.muli %add3A_127, %mul3A_128 : i32
      %dma_start3A_130 = arith.constant 0 : i32
      %dma_start3A_131 = arith.constant 0 : i32
      %dma_start3A_132 = arith.constant 0 : i32
      %dma_start3A_133 = tpu.memref_slice %arg9[%dma_start3A_130, %dma_start3A_131, %dma_start3A_132] : memref<4x200x64xbf16, #tpu.memory_space<vmem>> -> memref<1x200x64xbf16, #tpu.memory_space<vmem>>
      %dma_start3A_134 = tpu.memref_squeeze %dma_start3A_133 : memref<1x200x64xbf16, #tpu.memory_space<vmem>> -> memref<200x64xbf16, #tpu.memory_space<vmem>>
      %dma_start3A_135 = tpu.memref_slice %arg7[%mul3A_129] : memref<20000xi32, #tpu.memory_space<vmem>> -> memref<200xi32, #tpu.memory_space<vmem>>
      %dma_start3A_136 = arith.constant 0 : i32
      %dma_start3A_137 = arith.constant 0 : i32
      %dma_start3A_138 = tpu.memref_slice %arg10[%dma_start3A_136, %dma_start3A_137] : memref<10000x64xbf16, #tpu.memory_space<vmem_shared>> -> memref<10000x64xbf16, #tpu.memory_space<vmem_shared>>
      tpu.enqueue_indirect_dma source(%dma_start3A_138 : memref<10000x64xbf16, #tpu.memory_space<vmem_shared>>) target(%dma_start3A_134 : memref<200x64xbf16, #tpu.memory_space<vmem>>) offsets(%dma_start3A_135 : memref<200xi32, #tpu.memory_space<vmem>>) semaphore(%arg12 : memref<!tpu.dma_semaphore, #tpu.memory_space<semaphore_mem>>)
      %add3A_139 = arith.constant 1 : i32
      %add3A_140 = arith.addi %mul3A_106, %add3A_139 : i32
      %mul3A_141 = arith.constant 200 : i32
      %mul3A_142 = arith.muli %add3A_140, %mul3A_141 : i32
      %dma_wait3A_143 = arith.constant 1 : i32
      %dma_wait3A_144 = arith.constant 0 : i32
      %dma_wait3A_145 = arith.constant 0 : i32
      %dma_wait3A_146 = tpu.memref_slice %arg9[%dma_wait3A_143, %dma_wait3A_144, %dma_wait3A_145] : memref<4x200x64xbf16, #tpu.memory_space<vmem>> -> memref<1x200x64xbf16, #tpu.memory_space<vmem>>
      %dma_wait3A_147 = tpu.memref_squeeze %dma_wait3A_146 : memref<1x200x64xbf16, #tpu.memory_space<vmem>> -> memref<200x64xbf16, #tpu.memory_space<vmem>>
      %dma_wait3A_148 = tpu.memref_slice %arg7[%mul3A_142] : memref<20000xi32, #tpu.memory_space<vmem>> -> memref<200xi32, #tpu.memory_space<vmem>>
      %dma_wait3A_149 = arith.constant 0 : i32
      %dma_wait3A_150 = arith.constant 0 : i32
      %dma_wait3A_151 = tpu.memref_slice %arg10[%dma_wait3A_149, %dma_wait3A_150] : memref<10000x64xbf16, #tpu.memory_space<vmem_shared>> -> memref<10000x64xbf16, #tpu.memory_space<vmem_shared>>
      tpu.wait_indirect_dma semaphore(%arg13 : memref<!tpu.dma_semaphore, #tpu.memory_space<semaphore_mem>>) src(%dma_wait3A_151 : memref<10000x64xbf16, #tpu.memory_space<vmem_shared>>) dst(%dma_wait3A_147 : memref<200x64xbf16, #tpu.memory_space<vmem>>)
      %add3A_152 = arith.constant 1 : i32
      %add3A_153 = arith.addi %mul3A_106, %add3A_152 : i32
      %mul3A_154 = arith.constant 200 : i32
      %mul3A_155 = arith.muli %add3A_153, %mul3A_154 : i32
      %run_scoped3A_156 = arith.constant 1 : i32
      "tpu.region"() ({
        %run_scoped3A_238 = tpu.sem_alloc : memref<!tpu.dma_semaphore, #tpu.memory_space<semaphore_mem>>
        %dma_start3A_239 = arith.constant 0 : i32
        %dma_start3A_240 = arith.constant 0 : i32
        %dma_start3A_241 = tpu.memref_slice %arg9[%run_scoped3A_156, %dma_start3A_239, %dma_start3A_240] : memref<4x200x64xbf16, #tpu.memory_space<vmem>> -> memref<1x200x64xbf16, #tpu.memory_space<vmem>>
        %dma_start3A_242 = tpu.memref_squeeze %dma_start3A_241 : memref<1x200x64xbf16, #tpu.memory_space<vmem>> -> memref<200x64xbf16, #tpu.memory_space<vmem>>
        %dma_start3A_243 = tpu.memref_slice %arg8[%mul3A_155] : memref<20000xi32, #tpu.memory_space<vmem>> -> memref<200xi32, #tpu.memory_space<vmem>>
        %dma_start3A_244 = arith.constant 0 : i32
        %dma_start3A_245 = arith.constant 0 : i32
        %dma_start3A_246 = tpu.memref_slice %arg11[%dma_start3A_244, %dma_start3A_245] : memref<10240x64xbf16, #tpu.memory_space<vmem_shared>> -> memref<10240x64xbf16, #tpu.memory_space<vmem_shared>>
        tpu.enqueue_indirect_dma source(%dma_start3A_242 : memref<200x64xbf16, #tpu.memory_space<vmem>>) target(%dma_start3A_246 : memref<10240x64xbf16, #tpu.memory_space<vmem_shared>>) offsets(%dma_start3A_243 : memref<200xi32, #tpu.memory_space<vmem>>) semaphore(%run_scoped3A_238 : memref<!tpu.dma_semaphore, #tpu.memory_space<semaphore_mem>>) {add = true}
        %dma_wait3A_247 = arith.constant 0 : i32
        %dma_wait3A_248 = arith.constant 0 : i32
        %dma_wait3A_249 = tpu.memref_slice %arg9[%run_scoped3A_156, %dma_wait3A_247, %dma_wait3A_248] : memref<4x200x64xbf16, #tpu.memory_space<vmem>> -> memref<1x200x64xbf16, #tpu.memory_space<vmem>>
        %dma_wait3A_250 = tpu.memref_squeeze %dma_wait3A_249 : memref<1x200x64xbf16, #tpu.memory_space<vmem>> -> memref<200x64xbf16, #tpu.memory_space<vmem>>
        %dma_wait3A_251 = tpu.memref_slice %arg8[%mul3A_155] : memref<20000xi32, #tpu.memory_space<vmem>> -> memref<200xi32, #tpu.memory_space<vmem>>
        %dma_wait3A_252 = arith.constant 0 : i32
        %dma_wait3A_253 = arith.constant 0 : i32
        %dma_wait3A_254 = tpu.memref_slice %arg11[%dma_wait3A_252, %dma_wait3A_253] : memref<10240x64xbf16, #tpu.memory_space<vmem_shared>> -> memref<10240x64xbf16, #tpu.memory_space<vmem_shared>>
        tpu.wait_indirect_dma semaphore(%run_scoped3A_238 : memref<!tpu.dma_semaphore, #tpu.memory_space<semaphore_mem>>) src(%dma_wait3A_250 : memref<200x64xbf16, #tpu.memory_space<vmem>>) dst(%dma_wait3A_254 : memref<10240x64xbf16, #tpu.memory_space<vmem_shared>>)
        tpu.yield
      }) : () -> ()
      %add3A_157 = arith.constant 4 : i32
      %add3A_158 = arith.addi %mul3A_106, %add3A_157 : i32
      %add3A_159 = arith.constant 1 : i32
      %add3A_160 = arith.addi %add3A_158, %add3A_159 : i32
      %mul3A_161 = arith.constant 200 : i32
      %mul3A_162 = arith.muli %add3A_160, %mul3A_161 : i32
      %dma_start3A_163 = arith.constant 1 : i32
      %dma_start3A_164 = arith.constant 0 : i32
      %dma_start3A_165 = arith.constant 0 : i32
      %dma_start3A_166 = tpu.memref_slice %arg9[%dma_start3A_163, %dma_start3A_164, %dma_start3A_165] : memref<4x200x64xbf16, #tpu.memory_space<vmem>> -> memref<1x200x64xbf16, #tpu.memory_space<vmem>>
      %dma_start3A_167 = tpu.memref_squeeze %dma_start3A_166 : memref<1x200x64xbf16, #tpu.memory_space<vmem>> -> memref<200x64xbf16, #tpu.memory_space<vmem>>
      %dma_start3A_168 = tpu.memref_slice %arg7[%mul3A_162] : memref<20000xi32, #tpu.memory_space<vmem>> -> memref<200xi32, #tpu.memory_space<vmem>>
      %dma_start3A_169 = arith.constant 0 : i32
      %dma_start3A_170 = arith.constant 0 : i32
      %dma_start3A_171 = tpu.memref_slice %arg10[%dma_start3A_169, %dma_start3A_170] : memref<10000x64xbf16, #tpu.memory_space<vmem_shared>> -> memref<10000x64xbf16, #tpu.memory_space<vmem_shared>>
      tpu.enqueue_indirect_dma source(%dma_start3A_171 : memref<10000x64xbf16, #tpu.memory_space<vmem_shared>>) target(%dma_start3A_167 : memref<200x64xbf16, #tpu.memory_space<vmem>>) offsets(%dma_start3A_168 : memref<200xi32, #tpu.memory_space<vmem>>) semaphore(%arg13 : memref<!tpu.dma_semaphore, #tpu.memory_space<semaphore_mem>>)
      %add3A_172 = arith.constant 2 : i32
      %add3A_173 = arith.addi %mul3A_106, %add3A_172 : i32
      %mul3A_174 = arith.constant 200 : i32
      %mul3A_175 = arith.muli %add3A_173, %mul3A_174 : i32
      %dma_wait3A_176 = arith.constant 2 : i32
      %dma_wait3A_177 = arith.constant 0 : i32
      %dma_wait3A_178 = arith.constant 0 : i32
      %dma_wait3A_179 = tpu.memref_slice %arg9[%dma_wait3A_176, %dma_wait3A_177, %dma_wait3A_178] : memref<4x200x64xbf16, #tpu.memory_space<vmem>> -> memref<1x200x64xbf16, #tpu.memory_space<vmem>>
      %dma_wait3A_180 = tpu.memref_squeeze %dma_wait3A_179 : memref<1x200x64xbf16, #tpu.memory_space<vmem>> -> memref<200x64xbf16, #tpu.memory_space<vmem>>
      %dma_wait3A_181 = tpu.memref_slice %arg7[%mul3A_175] : memref<20000xi32, #tpu.memory_space<vmem>> -> memref<200xi32, #tpu.memory_space<vmem>>
      %dma_wait3A_182 = arith.constant 0 : i32
      %dma_wait3A_183 = arith.constant 0 : i32
      %dma_wait3A_184 = tpu.memref_slice %arg10[%dma_wait3A_182, %dma_wait3A_183] : memref<10000x64xbf16, #tpu.memory_space<vmem_shared>> -> memref<10000x64xbf16, #tpu.memory_space<vmem_shared>>
      tpu.wait_indirect_dma semaphore(%arg14 : memref<!tpu.dma_semaphore, #tpu.memory_space<semaphore_mem>>) src(%dma_wait3A_184 : memref<10000x64xbf16, #tpu.memory_space<vmem_shared>>) dst(%dma_wait3A_180 : memref<200x64xbf16, #tpu.memory_space<vmem>>)
      %add3A_185 = arith.constant 2 : i32
      %add3A_186 = arith.addi %mul3A_106, %add3A_185 : i32
      %mul3A_187 = arith.constant 200 : i32
      %mul3A_188 = arith.muli %add3A_186, %mul3A_187 : i32
      %run_scoped3A_189 = arith.constant 2 : i32
      "tpu.region"() ({
        %run_scoped3A_238 = tpu.sem_alloc : memref<!tpu.dma_semaphore, #tpu.memory_space<semaphore_mem>>
        %dma_start3A_239 = arith.constant 0 : i32
        %dma_start3A_240 = arith.constant 0 : i32
        %dma_start3A_241 = tpu.memref_slice %arg9[%run_scoped3A_189, %dma_start3A_239, %dma_start3A_240] : memref<4x200x64xbf16, #tpu.memory_space<vmem>> -> memref<1x200x64xbf16, #tpu.memory_space<vmem>>
        %dma_start3A_242 = tpu.memref_squeeze %dma_start3A_241 : memref<1x200x64xbf16, #tpu.memory_space<vmem>> -> memref<200x64xbf16, #tpu.memory_space<vmem>>
        %dma_start3A_243 = tpu.memref_slice %arg8[%mul3A_188] : memref<20000xi32, #tpu.memory_space<vmem>> -> memref<200xi32, #tpu.memory_space<vmem>>
        %dma_start3A_244 = arith.constant 0 : i32
        %dma_start3A_245 = arith.constant 0 : i32
        %dma_start3A_246 = tpu.memref_slice %arg11[%dma_start3A_244, %dma_start3A_245] : memref<10240x64xbf16, #tpu.memory_space<vmem_shared>> -> memref<10240x64xbf16, #tpu.memory_space<vmem_shared>>
        tpu.enqueue_indirect_dma source(%dma_start3A_242 : memref<200x64xbf16, #tpu.memory_space<vmem>>) target(%dma_start3A_246 : memref<10240x64xbf16, #tpu.memory_space<vmem_shared>>) offsets(%dma_start3A_243 : memref<200xi32, #tpu.memory_space<vmem>>) semaphore(%run_scoped3A_238 : memref<!tpu.dma_semaphore, #tpu.memory_space<semaphore_mem>>) {add = true}
        %dma_wait3A_247 = arith.constant 0 : i32
        %dma_wait3A_248 = arith.constant 0 : i32
        %dma_wait3A_249 = tpu.memref_slice %arg9[%run_scoped3A_189, %dma_wait3A_247, %dma_wait3A_248] : memref<4x200x64xbf16, #tpu.memory_space<vmem>> -> memref<1x200x64xbf16, #tpu.memory_space<vmem>>
        %dma_wait3A_250 = tpu.memref_squeeze %dma_wait3A_249 : memref<1x200x64xbf16, #tpu.memory_space<vmem>> -> memref<200x64xbf16, #tpu.memory_space<vmem>>
        %dma_wait3A_251 = tpu.memref_slice %arg8[%mul3A_188] : memref<20000xi32, #tpu.memory_space<vmem>> -> memref<200xi32, #tpu.memory_space<vmem>>
        %dma_wait3A_252 = arith.constant 0 : i32
        %dma_wait3A_253 = arith.constant 0 : i32
        %dma_wait3A_254 = tpu.memref_slice %arg11[%dma_wait3A_252, %dma_wait3A_253] : memref<10240x64xbf16, #tpu.memory_space<vmem_shared>> -> memref<10240x64xbf16, #tpu.memory_space<vmem_shared>>
        tpu.wait_indirect_dma semaphore(%run_scoped3A_238 : memref<!tpu.dma_semaphore, #tpu.memory_space<semaphore_mem>>) src(%dma_wait3A_250 : memref<200x64xbf16, #tpu.memory_space<vmem>>) dst(%dma_wait3A_254 : memref<10240x64xbf16, #tpu.memory_space<vmem_shared>>)
        tpu.yield
      }) : () -> ()
      %add3A_190 = arith.constant 4 : i32
      %add3A_191 = arith.addi %mul3A_106, %add3A_190 : i32
      %add3A_192 = arith.constant 2 : i32
      %add3A_193 = arith.addi %add3A_191, %add3A_192 : i32
      %mul3A_194 = arith.constant 200 : i32
      %mul3A_195 = arith.muli %add3A_193, %mul3A_194 : i32
      %dma_start3A_196 = arith.constant 2 : i32
      %dma_start3A_197 = arith.constant 0 : i32
      %dma_start3A_198 = arith.constant 0 : i32
      %dma_start3A_199 = tpu.memref_slice %arg9[%dma_start3A_196, %dma_start3A_197, %dma_start3A_198] : memref<4x200x64xbf16, #tpu.memory_space<vmem>> -> memref<1x200x64xbf16, #tpu.memory_space<vmem>>
      %dma_start3A_200 = tpu.memref_squeeze %dma_start3A_199 : memref<1x200x64xbf16, #tpu.memory_space<vmem>> -> memref<200x64xbf16, #tpu.memory_space<vmem>>
      %dma_start3A_201 = tpu.memref_slice %arg7[%mul3A_195] : memref<20000xi32, #tpu.memory_space<vmem>> -> memref<200xi32, #tpu.memory_space<vmem>>
      %dma_start3A_202 = arith.constant 0 : i32
      %dma_start3A_203 = arith.constant 0 : i32
      %dma_start3A_204 = tpu.memref_slice %arg10[%dma_start3A_202, %dma_start3A_203] : memref<10000x64xbf16, #tpu.memory_space<vmem_shared>> -> memref<10000x64xbf16, #tpu.memory_space<vmem_shared>>
      tpu.enqueue_indirect_dma source(%dma_start3A_204 : memref<10000x64xbf16, #tpu.memory_space<vmem_shared>>) target(%dma_start3A_200 : memref<200x64xbf16, #tpu.memory_space<vmem>>) offsets(%dma_start3A_201 : memref<200xi32, #tpu.memory_space<vmem>>) semaphore(%arg14 : memref<!tpu.dma_semaphore, #tpu.memory_space<semaphore_mem>>)
      %add3A_205 = arith.constant 3 : i32
      %add3A_206 = arith.addi %mul3A_106, %add3A_205 : i32
      %mul3A_207 = arith.constant 200 : i32
      %mul3A_208 = arith.muli %add3A_206, %mul3A_207 : i32
      %dma_wait3A_209 = arith.constant 3 : i32
      %dma_wait3A_210 = arith.constant 0 : i32
      %dma_wait3A_211 = arith.constant 0 : i32
      %dma_wait3A_212 = tpu.memref_slice %arg9[%dma_wait3A_209, %dma_wait3A_210, %dma_wait3A_211] : memref<4x200x64xbf16, #tpu.memory_space<vmem>> -> memref<1x200x64xbf16, #tpu.memory_space<vmem>>
      %dma_wait3A_213 = tpu.memref_squeeze %dma_wait3A_212 : memref<1x200x64xbf16, #tpu.memory_space<vmem>> -> memref<200x64xbf16, #tpu.memory_space<vmem>>
      %dma_wait3A_214 = tpu.memref_slice %arg7[%mul3A_208] : memref<20000xi32, #tpu.memory_space<vmem>> -> memref<200xi32, #tpu.memory_space<vmem>>
      %dma_wait3A_215 = arith.constant 0 : i32
      %dma_wait3A_216 = arith.constant 0 : i32
      %dma_wait3A_217 = tpu.memref_slice %arg10[%dma_wait3A_215, %dma_wait3A_216] : memref<10000x64xbf16, #tpu.memory_space<vmem_shared>> -> memref<10000x64xbf16, #tpu.memory_space<vmem_shared>>
      tpu.wait_indirect_dma semaphore(%arg15 : memref<!tpu.dma_semaphore, #tpu.memory_space<semaphore_mem>>) src(%dma_wait3A_217 : memref<10000x64xbf16, #tpu.memory_space<vmem_shared>>) dst(%dma_wait3A_213 : memref<200x64xbf16, #tpu.memory_space<vmem>>)
      %add3A_218 = arith.constant 3 : i32
      %add3A_219 = arith.addi %mul3A_106, %add3A_218 : i32
      %mul3A_220 = arith.constant 200 : i32
      %mul3A_221 = arith.muli %add3A_219, %mul3A_220 : i32
      %run_scoped3A_222 = arith.constant 3 : i32
      "tpu.region"() ({
        %run_scoped3A_238 = tpu.sem_alloc : memref<!tpu.dma_semaphore, #tpu.memory_space<semaphore_mem>>
        %dma_start3A_239 = arith.constant 0 : i32
        %dma_start3A_240 = arith.constant 0 : i32
        %dma_start3A_241 = tpu.memref_slice %arg9[%run_scoped3A_222, %dma_start3A_239, %dma_start3A_240] : memref<4x200x64xbf16, #tpu.memory_space<vmem>> -> memref<1x200x64xbf16, #tpu.memory_space<vmem>>
        %dma_start3A_242 = tpu.memref_squeeze %dma_start3A_241 : memref<1x200x64xbf16, #tpu.memory_space<vmem>> -> memref<200x64xbf16, #tpu.memory_space<vmem>>
        %dma_start3A_243 = tpu.memref_slice %arg8[%mul3A_221] : memref<20000xi32, #tpu.memory_space<vmem>> -> memref<200xi32, #tpu.memory_space<vmem>>
        %dma_start3A_244 = arith.constant 0 : i32
        %dma_start3A_245 = arith.constant 0 : i32
        %dma_start3A_246 = tpu.memref_slice %arg11[%dma_start3A_244, %dma_start3A_245] : memref<10240x64xbf16, #tpu.memory_space<vmem_shared>> -> memref<10240x64xbf16, #tpu.memory_space<vmem_shared>>
        tpu.enqueue_indirect_dma source(%dma_start3A_242 : memref<200x64xbf16, #tpu.memory_space<vmem>>) target(%dma_start3A_246 : memref<10240x64xbf16, #tpu.memory_space<vmem_shared>>) offsets(%dma_start3A_243 : memref<200xi32, #tpu.memory_space<vmem>>) semaphore(%run_scoped3A_238 : memref<!tpu.dma_semaphore, #tpu.memory_space<semaphore_mem>>) {add = true}
        %dma_wait3A_247 = arith.constant 0 : i32
        %dma_wait3A_248 = arith.constant 0 : i32
        %dma_wait3A_249 = tpu.memref_slice %arg9[%run_scoped3A_222, %dma_wait3A_247, %dma_wait3A_248] : memref<4x200x64xbf16, #tpu.memory_space<vmem>> -> memref<1x200x64xbf16, #tpu.memory_space<vmem>>
        %dma_wait3A_250 = tpu.memref_squeeze %dma_wait3A_249 : memref<1x200x64xbf16, #tpu.memory_space<vmem>> -> memref<200x64xbf16, #tpu.memory_space<vmem>>
        %dma_wait3A_251 = tpu.memref_slice %arg8[%mul3A_221] : memref<20000xi32, #tpu.memory_space<vmem>> -> memref<200xi32, #tpu.memory_space<vmem>>
        %dma_wait3A_252 = arith.constant 0 : i32
        %dma_wait3A_253 = arith.constant 0 : i32
        %dma_wait3A_254 = tpu.memref_slice %arg11[%dma_wait3A_252, %dma_wait3A_253] : memref<10240x64xbf16, #tpu.memory_space<vmem_shared>> -> memref<10240x64xbf16, #tpu.memory_space<vmem_shared>>
        tpu.wait_indirect_dma semaphore(%run_scoped3A_238 : memref<!tpu.dma_semaphore, #tpu.memory_space<semaphore_mem>>) src(%dma_wait3A_250 : memref<200x64xbf16, #tpu.memory_space<vmem>>) dst(%dma_wait3A_254 : memref<10240x64xbf16, #tpu.memory_space<vmem_shared>>)
        tpu.yield
      }) : () -> ()
      %add3A_223 = arith.constant 4 : i32
      %add3A_224 = arith.addi %mul3A_106, %add3A_223 : i32
      %add3A_225 = arith.constant 3 : i32
      %add3A_226 = arith.addi %add3A_224, %add3A_225 : i32
      %mul3A_227 = arith.constant 200 : i32
      %mul3A_228 = arith.muli %add3A_226, %mul3A_227 : i32
      %dma_start3A_229 = arith.constant 3 : i32
      %dma_start3A_230 = arith.constant 0 : i32
      %dma_start3A_231 = arith.constant 0 : i32
      %dma_start3A_232 = tpu.memref_slice %arg9[%dma_start3A_229, %dma_start3A_230, %dma_start3A_231] : memref<4x200x64xbf16, #tpu.memory_space<vmem>> -> memref<1x200x64xbf16, #tpu.memory_space<vmem>>
      %dma_start3A_233 = tpu.memref_squeeze %dma_start3A_232 : memref<1x200x64xbf16, #tpu.memory_space<vmem>> -> memref<200x64xbf16, #tpu.memory_space<vmem>>
      %dma_start3A_234 = tpu.memref_slice %arg7[%mul3A_228] : memref<20000xi32, #tpu.memory_space<vmem>> -> memref<200xi32, #tpu.memory_space<vmem>>
      %dma_start3A_235 = arith.constant 0 : i32
      %dma_start3A_236 = arith.constant 0 : i32
      %dma_start3A_237 = tpu.memref_slice %arg10[%dma_start3A_235, %dma_start3A_236] : memref<10000x64xbf16, #tpu.memory_space<vmem_shared>> -> memref<10000x64xbf16, #tpu.memory_space<vmem_shared>>
      tpu.enqueue_indirect_dma source(%dma_start3A_237 : memref<10000x64xbf16, #tpu.memory_space<vmem_shared>>) target(%dma_start3A_233 : memref<200x64xbf16, #tpu.memory_space<vmem>>) offsets(%dma_start3A_234 : memref<200xi32, #tpu.memory_space<vmem>>) semaphore(%arg15 : memref<!tpu.dma_semaphore, #tpu.memory_space<semaphore_mem>>)
    }
    %scan3A_54 = arith.constant 24 : i32
    %dma_wait3A = arith.constant 0 : i32
    %dma_wait3A_55 = arith.constant 0 : i32
    %dma_wait3A_56 = arith.constant 0 : i32
    %dma_wait3A_57 = tpu.memref_slice %arg9[%dma_wait3A, %dma_wait3A_55, %dma_wait3A_56] : memref<4x200x64xbf16, #tpu.memory_space<vmem>> -> memref<1x200x64xbf16, #tpu.memory_space<vmem>>
    %dma_wait3A_58 = tpu.memref_squeeze %dma_wait3A_57 : memref<1x200x64xbf16, #tpu.memory_space<vmem>> -> memref<200x64xbf16, #tpu.memory_space<vmem>>
    %dma_wait3A_59 = arith.constant 19200 : i32
    %dma_wait3A_60 = tpu.memref_slice %arg7[%dma_wait3A_59] : memref<20000xi32, #tpu.memory_space<vmem>> -> memref<200xi32, #tpu.memory_space<vmem>>
    %dma_wait3A_61 = arith.constant 0 : i32
    %dma_wait3A_62 = arith.constant 0 : i32
    %dma_wait3A_63 = tpu.memref_slice %arg10[%dma_wait3A_61, %dma_wait3A_62] : memref<10000x64xbf16, #tpu.memory_space<vmem_shared>> -> memref<10000x64xbf16, #tpu.memory_space<vmem_shared>>
    tpu.wait_indirect_dma semaphore(%arg12 : memref<!tpu.dma_semaphore, #tpu.memory_space<semaphore_mem>>) src(%dma_wait3A_63 : memref<10000x64xbf16, #tpu.memory_space<vmem_shared>>) dst(%dma_wait3A_58 : memref<200x64xbf16, #tpu.memory_space<vmem>>)
    %run_scoped3A = arith.constant 0 : i32
    "tpu.region"() ({
      %run_scoped3A_104 = tpu.sem_alloc : memref<!tpu.dma_semaphore, #tpu.memory_space<semaphore_mem>>
      %dma_start3A_105 = arith.constant 0 : i32
      %dma_start3A_106 = arith.constant 0 : i32
      %dma_start3A_107 = tpu.memref_slice %arg9[%run_scoped3A, %dma_start3A_105, %dma_start3A_106] : memref<4x200x64xbf16, #tpu.memory_space<vmem>> -> memref<1x200x64xbf16, #tpu.memory_space<vmem>>
      %dma_start3A_108 = tpu.memref_squeeze %dma_start3A_107 : memref<1x200x64xbf16, #tpu.memory_space<vmem>> -> memref<200x64xbf16, #tpu.memory_space<vmem>>
      %dma_start3A_109 = arith.constant 19200 : i32
      %dma_start3A_110 = tpu.memref_slice %arg8[%dma_start3A_109] : memref<20000xi32, #tpu.memory_space<vmem>> -> memref<200xi32, #tpu.memory_space<vmem>>
      %dma_start3A_111 = arith.constant 0 : i32
      %dma_start3A_112 = arith.constant 0 : i32
      %dma_start3A_113 = tpu.memref_slice %arg11[%dma_start3A_111, %dma_start3A_112] : memref<10240x64xbf16, #tpu.memory_space<vmem_shared>> -> memref<10240x64xbf16, #tpu.memory_space<vmem_shared>>
      tpu.enqueue_indirect_dma source(%dma_start3A_108 : memref<200x64xbf16, #tpu.memory_space<vmem>>) target(%dma_start3A_113 : memref<10240x64xbf16, #tpu.memory_space<vmem_shared>>) offsets(%dma_start3A_110 : memref<200xi32, #tpu.memory_space<vmem>>) semaphore(%run_scoped3A_104 : memref<!tpu.dma_semaphore, #tpu.memory_space<semaphore_mem>>) {add = true}
      %dma_wait3A_114 = arith.constant 0 : i32
      %dma_wait3A_115 = arith.constant 0 : i32
      %dma_wait3A_116 = tpu.memref_slice %arg9[%run_scoped3A, %dma_wait3A_114, %dma_wait3A_115] : memref<4x200x64xbf16, #tpu.memory_space<vmem>> -> memref<1x200x64xbf16, #tpu.memory_space<vmem>>
      %dma_wait3A_117 = tpu.memref_squeeze %dma_wait3A_116 : memref<1x200x64xbf16, #tpu.memory_space<vmem>> -> memref<200x64xbf16, #tpu.memory_space<vmem>>
      %dma_wait3A_118 = arith.constant 19200 : i32
      %dma_wait3A_119 = tpu.memref_slice %arg8[%dma_wait3A_118] : memref<20000xi32, #tpu.memory_space<vmem>> -> memref<200xi32, #tpu.memory_space<vmem>>
      %dma_wait3A_120 = arith.constant 0 : i32
      %dma_wait3A_121 = arith.constant 0 : i32
      %dma_wait3A_122 = tpu.memref_slice %arg11[%dma_wait3A_120, %dma_wait3A_121] : memref<10240x64xbf16, #tpu.memory_space<vmem_shared>> -> memref<10240x64xbf16, #tpu.memory_space<vmem_shared>>
      tpu.wait_indirect_dma semaphore(%run_scoped3A_104 : memref<!tpu.dma_semaphore, #tpu.memory_space<semaphore_mem>>) src(%dma_wait3A_117 : memref<200x64xbf16, #tpu.memory_space<vmem>>) dst(%dma_wait3A_122 : memref<10240x64xbf16, #tpu.memory_space<vmem_shared>>)
      tpu.yield
    }) : () -> ()
    %dma_wait3A_64 = arith.constant 1 : i32
    %dma_wait3A_65 = arith.constant 0 : i32
    %dma_wait3A_66 = arith.constant 0 : i32
    %dma_wait3A_67 = tpu.memref_slice %arg9[%dma_wait3A_64, %dma_wait3A_65, %dma_wait3A_66] : memref<4x200x64xbf16, #tpu.memory_space<vmem>> -> memref<1x200x64xbf16, #tpu.memory_space<vmem>>
    %dma_wait3A_68 = tpu.memref_squeeze %dma_wait3A_67 : memref<1x200x64xbf16, #tpu.memory_space<vmem>> -> memref<200x64xbf16, #tpu.memory_space<vmem>>
    %dma_wait3A_69 = arith.constant 19400 : i32
    %dma_wait3A_70 = tpu.memref_slice %arg7[%dma_wait3A_69] : memref<20000xi32, #tpu.memory_space<vmem>> -> memref<200xi32, #tpu.memory_space<vmem>>
    %dma_wait3A_71 = arith.constant 0 : i32
    %dma_wait3A_72 = arith.constant 0 : i32
    %dma_wait3A_73 = tpu.memref_slice %arg10[%dma_wait3A_71, %dma_wait3A_72] : memref<10000x64xbf16, #tpu.memory_space<vmem_shared>> -> memref<10000x64xbf16, #tpu.memory_space<vmem_shared>>
    tpu.wait_indirect_dma semaphore(%arg13 : memref<!tpu.dma_semaphore, #tpu.memory_space<semaphore_mem>>) src(%dma_wait3A_73 : memref<10000x64xbf16, #tpu.memory_space<vmem_shared>>) dst(%dma_wait3A_68 : memref<200x64xbf16, #tpu.memory_space<vmem>>)
    %run_scoped3A_74 = arith.constant 1 : i32
    "tpu.region"() ({
      %run_scoped3A_104 = tpu.sem_alloc : memref<!tpu.dma_semaphore, #tpu.memory_space<semaphore_mem>>
      %dma_start3A_105 = arith.constant 0 : i32
      %dma_start3A_106 = arith.constant 0 : i32
      %dma_start3A_107 = tpu.memref_slice %arg9[%run_scoped3A_74, %dma_start3A_105, %dma_start3A_106] : memref<4x200x64xbf16, #tpu.memory_space<vmem>> -> memref<1x200x64xbf16, #tpu.memory_space<vmem>>
      %dma_start3A_108 = tpu.memref_squeeze %dma_start3A_107 : memref<1x200x64xbf16, #tpu.memory_space<vmem>> -> memref<200x64xbf16, #tpu.memory_space<vmem>>
      %dma_start3A_109 = arith.constant 19400 : i32
      %dma_start3A_110 = tpu.memref_slice %arg8[%dma_start3A_109] : memref<20000xi32, #tpu.memory_space<vmem>> -> memref<200xi32, #tpu.memory_space<vmem>>
      %dma_start3A_111 = arith.constant 0 : i32
      %dma_start3A_112 = arith.constant 0 : i32
      %dma_start3A_113 = tpu.memref_slice %arg11[%dma_start3A_111, %dma_start3A_112] : memref<10240x64xbf16, #tpu.memory_space<vmem_shared>> -> memref<10240x64xbf16, #tpu.memory_space<vmem_shared>>
      tpu.enqueue_indirect_dma source(%dma_start3A_108 : memref<200x64xbf16, #tpu.memory_space<vmem>>) target(%dma_start3A_113 : memref<10240x64xbf16, #tpu.memory_space<vmem_shared>>) offsets(%dma_start3A_110 : memref<200xi32, #tpu.memory_space<vmem>>) semaphore(%run_scoped3A_104 : memref<!tpu.dma_semaphore, #tpu.memory_space<semaphore_mem>>) {add = true}
      %dma_wait3A_114 = arith.constant 0 : i32
      %dma_wait3A_115 = arith.constant 0 : i32
      %dma_wait3A_116 = tpu.memref_slice %arg9[%run_scoped3A_74, %dma_wait3A_114, %dma_wait3A_115] : memref<4x200x64xbf16, #tpu.memory_space<vmem>> -> memref<1x200x64xbf16, #tpu.memory_space<vmem>>
      %dma_wait3A_117 = tpu.memref_squeeze %dma_wait3A_116 : memref<1x200x64xbf16, #tpu.memory_space<vmem>> -> memref<200x64xbf16, #tpu.memory_space<vmem>>
      %dma_wait3A_118 = arith.constant 19400 : i32
      %dma_wait3A_119 = tpu.memref_slice %arg8[%dma_wait3A_118] : memref<20000xi32, #tpu.memory_space<vmem>> -> memref<200xi32, #tpu.memory_space<vmem>>
      %dma_wait3A_120 = arith.constant 0 : i32
      %dma_wait3A_121 = arith.constant 0 : i32
      %dma_wait3A_122 = tpu.memref_slice %arg11[%dma_wait3A_120, %dma_wait3A_121] : memref<10240x64xbf16, #tpu.memory_space<vmem_shared>> -> memref<10240x64xbf16, #tpu.memory_space<vmem_shared>>
      tpu.wait_indirect_dma semaphore(%run_scoped3A_104 : memref<!tpu.dma_semaphore, #tpu.memory_space<semaphore_mem>>) src(%dma_wait3A_117 : memref<200x64xbf16, #tpu.memory_space<vmem>>) dst(%dma_wait3A_122 : memref<10240x64xbf16, #tpu.memory_space<vmem_shared>>)
      tpu.yield
    }) : () -> ()
    %dma_wait3A_75 = arith.constant 2 : i32
    %dma_wait3A_76 = arith.constant 0 : i32
    %dma_wait3A_77 = arith.constant 0 : i32
    %dma_wait3A_78 = tpu.memref_slice %arg9[%dma_wait3A_75, %dma_wait3A_76, %dma_wait3A_77] : memref<4x200x64xbf16, #tpu.memory_space<vmem>> -> memref<1x200x64xbf16, #tpu.memory_space<vmem>>
    %dma_wait3A_79 = tpu.memref_squeeze %dma_wait3A_78 : memref<1x200x64xbf16, #tpu.memory_space<vmem>> -> memref<200x64xbf16, #tpu.memory_space<vmem>>
    %dma_wait3A_80 = arith.constant 19600 : i32
    %dma_wait3A_81 = tpu.memref_slice %arg7[%dma_wait3A_80] : memref<20000xi32, #tpu.memory_space<vmem>> -> memref<200xi32, #tpu.memory_space<vmem>>
    %dma_wait3A_82 = arith.constant 0 : i32
    %dma_wait3A_83 = arith.constant 0 : i32
    %dma_wait3A_84 = tpu.memref_slice %arg10[%dma_wait3A_82, %dma_wait3A_83] : memref<10000x64xbf16, #tpu.memory_space<vmem_shared>> -> memref<10000x64xbf16, #tpu.memory_space<vmem_shared>>
    tpu.wait_indirect_dma semaphore(%arg14 : memref<!tpu.dma_semaphore, #tpu.memory_space<semaphore_mem>>) src(%dma_wait3A_84 : memref<10000x64xbf16, #tpu.memory_space<vmem_shared>>) dst(%dma_wait3A_79 : memref<200x64xbf16, #tpu.memory_space<vmem>>)
    %run_scoped3A_85 = arith.constant 2 : i32
    "tpu.region"() ({
      %run_scoped3A_104 = tpu.sem_alloc : memref<!tpu.dma_semaphore, #tpu.memory_space<semaphore_mem>>
      %dma_start3A_105 = arith.constant 0 : i32
      %dma_start3A_106 = arith.constant 0 : i32
      %dma_start3A_107 = tpu.memref_slice %arg9[%run_scoped3A_85, %dma_start3A_105, %dma_start3A_106] : memref<4x200x64xbf16, #tpu.memory_space<vmem>> -> memref<1x200x64xbf16, #tpu.memory_space<vmem>>
      %dma_start3A_108 = tpu.memref_squeeze %dma_start3A_107 : memref<1x200x64xbf16, #tpu.memory_space<vmem>> -> memref<200x64xbf16, #tpu.memory_space<vmem>>
      %dma_start3A_109 = arith.constant 19600 : i32
      %dma_start3A_110 = tpu.memref_slice %arg8[%dma_start3A_109] : memref<20000xi32, #tpu.memory_space<vmem>> -> memref<200xi32, #tpu.memory_space<vmem>>
      %dma_start3A_111 = arith.constant 0 : i32
      %dma_start3A_112 = arith.constant 0 : i32
      %dma_start3A_113 = tpu.memref_slice %arg11[%dma_start3A_111, %dma_start3A_112] : memref<10240x64xbf16, #tpu.memory_space<vmem_shared>> -> memref<10240x64xbf16, #tpu.memory_space<vmem_shared>>
      tpu.enqueue_indirect_dma source(%dma_start3A_108 : memref<200x64xbf16, #tpu.memory_space<vmem>>) target(%dma_start3A_113 : memref<10240x64xbf16, #tpu.memory_space<vmem_shared>>) offsets(%dma_start3A_110 : memref<200xi32, #tpu.memory_space<vmem>>) semaphore(%run_scoped3A_104 : memref<!tpu.dma_semaphore, #tpu.memory_space<semaphore_mem>>) {add = true}
      %dma_wait3A_114 = arith.constant 0 : i32
      %dma_wait3A_115 = arith.constant 0 : i32
      %dma_wait3A_116 = tpu.memref_slice %arg9[%run_scoped3A_85, %dma_wait3A_114, %dma_wait3A_115] : memref<4x200x64xbf16, #tpu.memory_space<vmem>> -> memref<1x200x64xbf16, #tpu.memory_space<vmem>>
      %dma_wait3A_117 = tpu.memref_squeeze %dma_wait3A_116 : memref<1x200x64xbf16, #tpu.memory_space<vmem>> -> memref<200x64xbf16, #tpu.memory_space<vmem>>
      %dma_wait3A_118 = arith.constant 19600 : i32
      %dma_wait3A_119 = tpu.memref_slice %arg8[%dma_wait3A_118] : memref<20000xi32, #tpu.memory_space<vmem>> -> memref<200xi32, #tpu.memory_space<vmem>>
      %dma_wait3A_120 = arith.constant 0 : i32
      %dma_wait3A_121 = arith.constant 0 : i32
      %dma_wait3A_122 = tpu.memref_slice %arg11[%dma_wait3A_120, %dma_wait3A_121] : memref<10240x64xbf16, #tpu.memory_space<vmem_shared>> -> memref<10240x64xbf16, #tpu.memory_space<vmem_shared>>
      tpu.wait_indirect_dma semaphore(%run_scoped3A_104 : memref<!tpu.dma_semaphore, #tpu.memory_space<semaphore_mem>>) src(%dma_wait3A_117 : memref<200x64xbf16, #tpu.memory_space<vmem>>) dst(%dma_wait3A_122 : memref<10240x64xbf16, #tpu.memory_space<vmem_shared>>)
      tpu.yield
    }) : () -> ()
    %dma_wait3A_86 = arith.constant 3 : i32
    %dma_wait3A_87 = arith.constant 0 : i32
    %dma_wait3A_88 = arith.constant 0 : i32
    %dma_wait3A_89 = tpu.memref_slice %arg9[%dma_wait3A_86, %dma_wait3A_87, %dma_wait3A_88] : memref<4x200x64xbf16, #tpu.memory_space<vmem>> -> memref<1x200x64xbf16, #tpu.memory_space<vmem>>
    %dma_wait3A_90 = tpu.memref_squeeze %dma_wait3A_89 : memref<1x200x64xbf16, #tpu.memory_space<vmem>> -> memref<200x64xbf16, #tpu.memory_space<vmem>>
    %dma_wait3A_91 = arith.constant 19800 : i32
    %dma_wait3A_92 = tpu.memref_slice %arg7[%dma_wait3A_91] : memref<20000xi32, #tpu.memory_space<vmem>> -> memref<200xi32, #tpu.memory_space<vmem>>
    %dma_wait3A_93 = arith.constant 0 : i32
    %dma_wait3A_94 = arith.constant 0 : i32
    %dma_wait3A_95 = tpu.memref_slice %arg10[%dma_wait3A_93, %dma_wait3A_94] : memref<10000x64xbf16, #tpu.memory_space<vmem_shared>> -> memref<10000x64xbf16, #tpu.memory_space<vmem_shared>>
    tpu.wait_indirect_dma semaphore(%arg15 : memref<!tpu.dma_semaphore, #tpu.memory_space<semaphore_mem>>) src(%dma_wait3A_95 : memref<10000x64xbf16, #tpu.memory_space<vmem_shared>>) dst(%dma_wait3A_90 : memref<200x64xbf16, #tpu.memory_space<vmem>>)
    %run_scoped3A_96 = arith.constant 3 : i32
    "tpu.region"() ({
      %run_scoped3A_104 = tpu.sem_alloc : memref<!tpu.dma_semaphore, #tpu.memory_space<semaphore_mem>>
      %dma_start3A_105 = arith.constant 0 : i32
      %dma_start3A_106 = arith.constant 0 : i32
      %dma_start3A_107 = tpu.memref_slice %arg9[%run_scoped3A_96, %dma_start3A_105, %dma_start3A_106] : memref<4x200x64xbf16, #tpu.memory_space<vmem>> -> memref<1x200x64xbf16, #tpu.memory_space<vmem>>
      %dma_start3A_108 = tpu.memref_squeeze %dma_start3A_107 : memref<1x200x64xbf16, #tpu.memory_space<vmem>> -> memref<200x64xbf16, #tpu.memory_space<vmem>>
      %dma_start3A_109 = arith.constant 19800 : i32
      %dma_start3A_110 = tpu.memref_slice %arg8[%dma_start3A_109] : memref<20000xi32, #tpu.memory_space<vmem>> -> memref<200xi32, #tpu.memory_space<vmem>>
      %dma_start3A_111 = arith.constant 0 : i32
      %dma_start3A_112 = arith.constant 0 : i32
      %dma_start3A_113 = tpu.memref_slice %arg11[%dma_start3A_111, %dma_start3A_112] : memref<10240x64xbf16, #tpu.memory_space<vmem_shared>> -> memref<10240x64xbf16, #tpu.memory_space<vmem_shared>>
      tpu.enqueue_indirect_dma source(%dma_start3A_108 : memref<200x64xbf16, #tpu.memory_space<vmem>>) target(%dma_start3A_113 : memref<10240x64xbf16, #tpu.memory_space<vmem_shared>>) offsets(%dma_start3A_110 : memref<200xi32, #tpu.memory_space<vmem>>) semaphore(%run_scoped3A_104 : memref<!tpu.dma_semaphore, #tpu.memory_space<semaphore_mem>>) {add = true}
      %dma_wait3A_114 = arith.constant 0 : i32
      %dma_wait3A_115 = arith.constant 0 : i32
      %dma_wait3A_116 = tpu.memref_slice %arg9[%run_scoped3A_96, %dma_wait3A_114, %dma_wait3A_115] : memref<4x200x64xbf16, #tpu.memory_space<vmem>> -> memref<1x200x64xbf16, #tpu.memory_space<vmem>>
      %dma_wait3A_117 = tpu.memref_squeeze %dma_wait3A_116 : memref<1x200x64xbf16, #tpu.memory_space<vmem>> -> memref<200x64xbf16, #tpu.memory_space<vmem>>
      %dma_wait3A_118 = arith.constant 19800 : i32
      %dma_wait3A_119 = tpu.memref_slice %arg8[%dma_wait3A_118] : memref<20000xi32, #tpu.memory_space<vmem>> -> memref<200xi32, #tpu.memory_space<vmem>>
      %dma_wait3A_120 = arith.constant 0 : i32
      %dma_wait3A_121 = arith.constant 0 : i32
      %dma_wait3A_122 = tpu.memref_slice %arg11[%dma_wait3A_120, %dma_wait3A_121] : memref<10240x64xbf16, #tpu.memory_space<vmem_shared>> -> memref<10240x64xbf16, #tpu.memory_space<vmem_shared>>
      tpu.wait_indirect_dma semaphore(%run_scoped3A_104 : memref<!tpu.dma_semaphore, #tpu.memory_space<semaphore_mem>>) src(%dma_wait3A_117 : memref<200x64xbf16, #tpu.memory_space<vmem>>) dst(%dma_wait3A_122 : memref<10240x64xbf16, #tpu.memory_space<vmem_shared>>)
      tpu.yield
    }) : () -> ()
    %barrier3A_97 = arith.constant 0 : index
    tpu.barrier barrier_id(%barrier3A_97)
    %mul3A_98 = arith.constant 640 : i32
    %mul3A_99 = arith.muli %arg1, %mul3A_98 : i32
    %mul3A_100 = arith.constant 640 : i32
    %mul3A_101 = arith.muli %arg1, %mul3A_100 : i32
    %mul3A_102 = arith.constant 64 : i32
    %mul3A_103 = arith.muli %arg0, %mul3A_102 : i32
    "tpu.region"() ({
      %run_scoped3A_104 = tpu.sem_alloc : memref<!tpu.dma_semaphore, #tpu.memory_space<semaphore_mem>>
      %dma_start3A_105 = tpu.memref_slice %arg6[%mul3A_101, %mul3A_103] : memref<10240x128xbf16, #tpu.memory_space<hbm>> -> memref<640x64xbf16, #tpu.memory_space<hbm>>
      %dma_start3A_106 = arith.constant 0 : i32
      %dma_start3A_107 = tpu.memref_slice %arg11[%mul3A_99, %dma_start3A_106] : memref<10240x64xbf16, #tpu.memory_space<vmem_shared>> -> memref<640x64xbf16, #tpu.memory_space<vmem_shared>>
      tpu.enqueue_dma source(%dma_start3A_107 : memref<640x64xbf16, #tpu.memory_space<vmem_shared>>) target(%dma_start3A_105 : memref<640x64xbf16, #tpu.memory_space<hbm>>) target_semaphore(%run_scoped3A_104 : memref<!tpu.dma_semaphore, #tpu.memory_space<semaphore_mem>>)
      %dma_wait3A_108 = tpu.memref_slice %arg6[%mul3A_101, %mul3A_103] : memref<10240x128xbf16, #tpu.memory_space<hbm>> -> memref<640x64xbf16, #tpu.memory_space<hbm>>
      %dma_wait3A_109 = arith.constant 0 : i32
      %dma_wait3A_110 = tpu.memref_slice %arg11[%mul3A_99, %dma_wait3A_109] : memref<10240x64xbf16, #tpu.memory_space<vmem_shared>> -> memref<640x64xbf16, #tpu.memory_space<vmem_shared>>
      tpu.wait_dma2 semaphore(%run_scoped3A_104 : memref<!tpu.dma_semaphore, #tpu.memory_space<semaphore_mem>>) src(%dma_wait3A_110 : memref<640x64xbf16, #tpu.memory_space<vmem_shared>>) dst(%dma_wait3A_108 : memref<640x64xbf16, #tpu.memory_space<hbm>>)
      tpu.yield
    }) : () -> ()
    return
  }
}

module attributes {stable_mosaic.version = 14 : i64} {
  func.func @_dense_body(%arg0: i32, %arg1: memref<2000x128xf32, #tpu.memory_space<vmem>>, %arg2: memref<128x128xf32, #tpu.memory_space<vmem>>, %arg3: memref<1x128xf32, #tpu.memory_space<vmem>>, %arg4: memref<2000x128xbf16, #tpu.memory_space<vmem>>) attributes {dimension_semantics = [#tpu.dimension_semantics<arbitrary>], iteration_bounds = array<i64: 5>, scalar_prefetch = 0 : i64, scratch_operands = 0 : i64, tpu.core_type = #tpu.core_type<tc>, window_params = [{transform_indices = @transform_0, window_bounds = array<i64: 2000, 128>}, {pipeline_mode = #tpu.pipeline_mode<synchronous>, transform_indices = @transform_1, window_bounds = array<i64: 128, 128>}, {pipeline_mode = #tpu.pipeline_mode<synchronous>, transform_indices = @transform_2, window_bounds = array<i64: 1, 128>}, {transform_indices = @transform_3, window_bounds = array<i64: 2000, 128>}]} {
    %get3A = arith.constant 0 : index
    %get3A_0 = arith.constant 0 : index
    %get3A_1 = vector.load %arg1[%get3A, %get3A_0] : memref<2000x128xf32, #tpu.memory_space<vmem>>, vector<2000x128xf32>
    %get3A_2 = arith.constant 0 : index
    %get3A_3 = arith.constant 0 : index
    %get3A_4 = vector.load %arg2[%get3A_2, %get3A_3] : memref<128x128xf32, #tpu.memory_space<vmem>>, vector<128x128xf32>
    %dot_general3A = arith.constant dense<0.000000e+00> : vector<2000x128xf32>
    %dot_general3A_5 = tpu.matmul %get3A_1, %get3A_4, %dot_general3A {dimension_numbers = #tpu.dot_dimension_numbers<[1], [0], [0], [1], [0, 0, 1, 1], [], []>, transpose_lhs_hint = false} : vector<2000x128xf32>, vector<128x128xf32>, vector<2000x128xf32> -> vector<2000x128xf32>
    %get3A_6 = arith.constant 0 : index
    %get3A_7 = arith.constant 0 : index
    %get3A_8 = vector.load %arg3[%get3A_6, %get3A_7] : memref<1x128xf32, #tpu.memory_space<vmem>>, vector<1x128xf32>
    %add3A = vector.broadcast %get3A_8 : vector<1x128xf32> to vector<2000x128xf32>
    %add3A_9 = arith.addf %dot_general3A_5, %add3A : vector<2000x128xf32>
    %convert_element_type3A = arith.truncf %add3A_9 : vector<2000x128xf32> to vector<2000x128xbf16>
    %swap3A = arith.constant 0 : index
    %swap3A_10 = arith.constant 0 : index
    %swap3A_11 = vector.load %arg4[%swap3A, %swap3A_10] : memref<2000x128xbf16, #tpu.memory_space<vmem>>, vector<2000x128xbf16>
    tpu.vector_store %arg4[%swap3A, %swap3A_10], %convert_element_type3A {strides = array<i32>} : memref<2000x128xbf16, #tpu.memory_space<vmem>>, vector<2000x128xbf16>,
    return
  }
  func.func @transform_0(%arg0: i32) -> (i32, i32) {
    %c0_i32 = arith.constant 0 : i32
    %c0_i32_0 = arith.constant 0 : i32
    return %arg0, %c0_i32 : i32, i32
  }
  func.func @transform_1(%arg0: i32) -> (i32, i32) {
    %c0_i32 = arith.constant 0 : i32
    %c0_i32_0 = arith.constant 0 : i32
    %c0_i32_1 = arith.constant 0 : i32
    return %c0_i32, %c0_i32_0 : i32, i32
  }
  func.func @transform_2(%arg0: i32) -> (i32, i32) {
    %c0_i32 = arith.constant 0 : i32
    %c0_i32_0 = arith.constant 0 : i32
    %c0_i32_1 = arith.constant 0 : i32
    return %c0_i32, %c0_i32_0 : i32, i32
  }
  func.func @transform_3(%arg0: i32) -> (i32, i32) {
    %c0_i32 = arith.constant 0 : i32
    %c0_i32_0 = arith.constant 0 : i32
    return %arg0, %c0_i32 : i32, i32
  }
}

module attributes {stable_mosaic.version = 14 : i64} {
  func.func @_combine_dense_body(%arg0: i32, %arg1: memref<2000x128xbf16, #tpu.memory_space<vmem>>, %arg2: memref<128x128xf32, #tpu.memory_space<vmem>>, %arg3: memref<1x128xf32, #tpu.memory_space<vmem>>, %arg4: memref<2000x128xbf16, #tpu.memory_space<vmem>>) attributes {dimension_semantics = [#tpu.dimension_semantics<arbitrary>], iteration_bounds = array<i64: 5>, scalar_prefetch = 0 : i64, scratch_operands = 0 : i64, tpu.core_type = #tpu.core_type<tc>, window_params = [{transform_indices = @transform_0, window_bounds = array<i64: 2000, 128>}, {pipeline_mode = #tpu.pipeline_mode<synchronous>, transform_indices = @transform_1, window_bounds = array<i64: 128, 128>}, {pipeline_mode = #tpu.pipeline_mode<synchronous>, transform_indices = @transform_2, window_bounds = array<i64: 1, 128>}, {transform_indices = @transform_3, window_bounds = array<i64: 2000, 128>}]} {
    %get3A = arith.constant 0 : index
    %get3A_0 = arith.constant 0 : index
    %get3A_1 = vector.load %arg1[%get3A, %get3A_0] : memref<2000x128xbf16, #tpu.memory_space<vmem>>, vector<2000x128xbf16>
    %convert_element_type3A = arith.extf %get3A_1 : vector<2000x128xbf16> to vector<2000x128xf32>
    %gt3A = arith.constant 0.000000e+00 : f32
    %gt3A_2 = vector.broadcast %gt3A : f32 to vector<2000x128xf32>
    %gt3A_3 = arith.cmpf ogt, %convert_element_type3A, %gt3A_2 : vector<2000x128xf32>
    %min3A = arith.constant 0.000000e+00 : f32
    %min3A_4 = vector.broadcast %min3A : f32 to vector<2000x128xf32>
    %min3A_5 = arith.minimumf %convert_element_type3A, %min3A_4 : vector<2000x128xf32>
    %exp3A = math.exp %min3A_5 : vector<2000x128xf32>
    %sub3A = arith.constant 1.000000e+00 : f32
    %sub3A_6 = vector.broadcast %sub3A : f32 to vector<2000x128xf32>
    %sub3A_7 = arith.subf %exp3A, %sub3A_6 : vector<2000x128xf32>
    %select_n3A = arith.select %gt3A_3, %convert_element_type3A, %sub3A_7 : vector<2000x128xi1>, vector<2000x128xf32>
    %get3A_8 = arith.constant 0 : index
    %get3A_9 = arith.constant 0 : index
    %get3A_10 = vector.load %arg2[%get3A_8, %get3A_9] : memref<128x128xf32, #tpu.memory_space<vmem>>, vector<128x128xf32>
    %dot_general3A = arith.constant dense<0.000000e+00> : vector<2000x128xf32>
    %dot_general3A_11 = tpu.matmul %select_n3A, %get3A_10, %dot_general3A {dimension_numbers = #tpu.dot_dimension_numbers<[1], [0], [0], [1], [0, 0, 1, 1], [], []>, transpose_lhs_hint = false} : vector<2000x128xf32>, vector<128x128xf32>, vector<2000x128xf32> -> vector<2000x128xf32>
    %get3A_12 = arith.constant 0 : index
    %get3A_13 = arith.constant 0 : index
    %get3A_14 = vector.load %arg3[%get3A_12, %get3A_13] : memref<1x128xf32, #tpu.memory_space<vmem>>, vector<1x128xf32>
    %add3A = vector.broadcast %get3A_14 : vector<1x128xf32> to vector<2000x128xf32>
    %add3A_15 = arith.addf %dot_general3A_11, %add3A : vector<2000x128xf32>
    %convert_element_type3A_16 = arith.truncf %add3A_15 : vector<2000x128xf32> to vector<2000x128xbf16>
    %swap3A = arith.constant 0 : index
    %swap3A_17 = arith.constant 0 : index
    %swap3A_18 = vector.load %arg4[%swap3A, %swap3A_17] : memref<2000x128xbf16, #tpu.memory_space<vmem>>, vector<2000x128xbf16>
    tpu.vector_store %arg4[%swap3A, %swap3A_17], %convert_element_type3A_16 {strides = array<i32>} : memref<2000x128xbf16, #tpu.memory_space<vmem>>, vector<2000x128xbf16>,
    return
  }
  func.func @transform_0(%arg0: i32) -> (i32, i32) {
    %c0_i32 = arith.constant 0 : i32
    %c0_i32_0 = arith.constant 0 : i32
    return %arg0, %c0_i32 : i32, i32
  }
  func.func @transform_1(%arg0: i32) -> (i32, i32) {
    %c0_i32 = arith.constant 0 : i32
    %c0_i32_0 = arith.constant 0 : i32
    %c0_i32_1 = arith.constant 0 : i32
    return %c0_i32, %c0_i32_0 : i32, i32
  }
  func.func @transform_2(%arg0: i32) -> (i32, i32) {
    %c0_i32 = arith.constant 0 : i32
    %c0_i32_0 = arith.constant 0 : i32
    %c0_i32_1 = arith.constant 0 : i32
    return %c0_i32, %c0_i32_0 : i32, i32
  }
  func.func @transform_3(%arg0: i32) -> (i32, i32) {
    %c0_i32 = arith.constant 0 : i32
    %c0_i32_0 = arith.constant 0 : i32
    return %arg0, %c0_i32 : i32, i32
  }
}

module attributes {stable_mosaic.version = 14 : i64} {
  func.func @_final_body(%arg0: i32, %arg1: memref<2000x128xbf16, #tpu.memory_space<vmem>>, %arg2: memref<2000x128xf32, #tpu.memory_space<vmem>>) attributes {dimension_semantics = [#tpu.dimension_semantics<arbitrary>], iteration_bounds = array<i64: 5>, scalar_prefetch = 0 : i64, scratch_operands = 0 : i64, tpu.core_type = #tpu.core_type<tc>, window_params = [{transform_indices = @transform_0, window_bounds = array<i64: 2000, 128>}, {transform_indices = @transform_1, window_bounds = array<i64: 2000, 128>}]} {
    %get3A = arith.constant 0 : index
    %get3A_0 = arith.constant 0 : index
    %get3A_1 = vector.load %arg1[%get3A, %get3A_0] : memref<2000x128xbf16, #tpu.memory_space<vmem>>, vector<2000x128xbf16>
    %convert_element_type3A = arith.extf %get3A_1 : vector<2000x128xbf16> to vector<2000x128xf32>
    %gt3A = arith.constant 0.000000e+00 : f32
    %gt3A_2 = vector.broadcast %gt3A : f32 to vector<2000x128xf32>
    %gt3A_3 = arith.cmpf ogt, %convert_element_type3A, %gt3A_2 : vector<2000x128xf32>
    %min3A = arith.constant 0.000000e+00 : f32
    %min3A_4 = vector.broadcast %min3A : f32 to vector<2000x128xf32>
    %min3A_5 = arith.minimumf %convert_element_type3A, %min3A_4 : vector<2000x128xf32>
    %exp3A = math.exp %min3A_5 : vector<2000x128xf32>
    %sub3A = arith.constant 1.000000e+00 : f32
    %sub3A_6 = vector.broadcast %sub3A : f32 to vector<2000x128xf32>
    %sub3A_7 = arith.subf %exp3A, %sub3A_6 : vector<2000x128xf32>
    %select_n3A = arith.select %gt3A_3, %convert_element_type3A, %sub3A_7 : vector<2000x128xi1>, vector<2000x128xf32>
    %swap3A = arith.constant 0 : index
    %swap3A_8 = arith.constant 0 : index
    %swap3A_9 = vector.load %arg2[%swap3A, %swap3A_8] : memref<2000x128xf32, #tpu.memory_space<vmem>>, vector<2000x128xf32>
    tpu.vector_store %arg2[%swap3A, %swap3A_8], %select_n3A {strides = array<i32>} : memref<2000x128xf32, #tpu.memory_space<vmem>>, vector<2000x128xf32>,
    return
  }
  func.func @transform_0(%arg0: i32) -> (i32, i32) {
    %c0_i32 = arith.constant 0 : i32
    %c0_i32_0 = arith.constant 0 : i32
    return %arg0, %c0_i32 : i32, i32
  }
  func.func @transform_1(%arg0: i32) -> (i32, i32) {
    %c0_i32 = arith.constant 0 : i32
    %c0_i32_0 = arith.constant 0 : i32
    return %arg0, %c0_i32 : i32, i32
  }
}

</mosaic_0001>

<sc_bundles>
// kernel: kernel.10.cloned.1.call-start
scs
__scs_entry_jumppad:
0x0: {  	(pc) =	sbr.rel $0x88, $3  }
0x1: {  	(tag) =	ssettag $0x0;
	lr =	simm.s32 $0x1  }
0x2: {  	[smem:$0x3F9B] =	sst lr;
	_ =	strace $0xD0000000  }
0x3: {  	_ = 	snop  }
0x4: {  	_ = 	snop  }
0x5: {  	_ = 	snop  }
0x6: {  	_ = 	snop  }
0x7: {  	_ = 	snop  }
__scs_overlays_trampoline_lowered:
0x8: {  	[smem:$0x3FAA] =	sst s0  }
0x9: {  	[smem:$0x3FAB] =	sst s1  }
0xa: {  	[smem:$0x3FAC] =	sst s2  }
0xb: {  	[smem:$0x3FAD] =	sst s3  }
0xc: {  	[smem:$0x3FAE] =	sst s4  }
0xd: {  	[smem:$0x3FAF] =	sst s5  }
0xe: {  	[smem:$0x3FB0] =	sst s6  }
0xf: {  	[smem:$0x3FB1] =	sst s7  }
0x10: {  	[smem:$0x3FB2] =	sst s8  }
0x11: {  	[smem:$0x3FB3] =	sst s9;
	s0 =	simm.s32 @!p0 $0x0  }
0x12: {  	s1 =	sld [smem:$0x3F99];
	s0 =	simm.s32 @p0 $0x1  }
0x13: {  	[smem:$0x3FB4] =	sst s0;
	s0 =	simm.s32 @!p1 $0x0  }
0x14: {  	s2 =	sld [smem:$0x3F98];
	s0 =	simm.s32 @p1 $0x1  }
0x15: {  	[smem:$0x3FB5] =	sst s0;
	s0 =	simm.s32 @!p2 $0x0  }
0x16: {  	s3 =	sld [smem:$0x3FDB];
	s0 =	simm.s32 @p2 $0x1  }
0x17: {  	s4 =	simm.s32 $0x1BF5;
	[smem:$0x3FB7] =	sst s0  }
0x18: {  	s0 =	sld [smem:$0x3F9A];
	_ =	swait.ge [sflag:s4], $0x0  }
0x19: {  	s7 =	sld [smem:$0x3F9B]  }
0x1a: {  	s8 =	sadd.s32 $0xFFFFE003, lr  }
0x1b: {  	s9 =	sadd.s32 $0xFFFFFEF7, lr;
	s5 =	simm.s32 $0xFFFFFFFF;
	p2 =	slt.u32 s8, $0xFFFFF086  }
0x1c: {  	p1 =	slt.u32 s9, $0xF7A;
	s5 =	simm.s32 @!p2 $0x0  }
0x1d: {  	s5 =	simm.s32 @p1 $0x1;
	p0 =	seq.s32 s7, s2  }
0x1e: {  	s7 =	smul.u32 @!p0 $0xF7A, s2;
	p2 =	seq.s32 @!p0 s5, $0x0  }
0x1f: {  	s9 =	smul.u32 $0xF7A, s1;
	s8 =	simm.s32 @!p0 $0x1BF5;
	p2 =	por !p2, p0  }
0x20: {  	[sflag:s8] =	ssyncset.s32 @!p0 $0xFFFFF086;
	s6 =	sadd.s32 @!p0 s3, s7;
	s7 =	simm.s32 @!p0 $0x108  }
0x21: {  	s3 =	sadd.s32 s3, s9;
	s6 =	sadd.s32 @!p0 $0x88, s6;
	s7 =	simm.s32 @p2 $0x1082  }
0x22: {  	[simem:s7], [sflag:s8] =	dma.local @!p0 [hbm:s6], $0xF7A  }
0x23: {  	s9 =	sor.u32 $0xD0000000, s2;
	s6 =	simm.s32 $0x108;
	_ =	swait.ge @!p0 [sflag:s8], $0x0  }
0x24: {  	s3 =	sadd.s32 $0x88, s3;
	s6 =	simm.s32 @!p1 $0x1082;
	[sflag:s4] =	ssyncset.s32 $0xFFFFF086  }
0x25: {  	[simem:s6], [sflag:s4] =	dma.local [hbm:s3], $0xF7A  }
0x26: {  	[smem:$0x3F9B] =	sst s1;
	(tag) =	ssettag s2;
	_ =	strace s9  }
0x27: {  	s1 =	sld [smem:$0x3FAB]  }
0x28: {  	s2 =	sld [smem:$0x3FAC]  }
0x29: {  	s4 =	sld [smem:$0x3FAE]  }
0x2a: {  	p0 =	seq.s32 s5, $0x0;
	s5 =	sld [smem:$0x3FAF]  }
0x2b: {  	s6 =	sld [smem:$0x3FB0]  }
0x2c: {  	s7 =	sld [smem:$0x3FB1]  }
0x2d: {  	s3 =	simm.s32 $0x108;
	s8 =	sld [smem:$0x3FB2]  }
0x2e: {  	s3 =	simm.s32 @!p0 $0x1082;
	s9 =	sld [smem:$0x3FB3]  }
0x2f: {  	lr =	sadd.s32 s0, s3;
	s0 =	sld [smem:$0x3FAA]  }
0x30: {  	s3 =	sld [smem:$0x3FAD]  }
0x31: {  	[smem:$0x3FB6] =	sst s10  }
0x32: {  	s10 =	sld [smem:$0x3FB4];
	_ =	sdelay $0x3  }
0x33: {  	p0 =	seq.s32 s10, $0x1;
	s10 =	sld [smem:$0x3FB6];
	_ =	sdelay $0x3  }
0x34: {  	[smem:$0x3FB6] =	sst s10  }
0x35: {  	s10 =	sld [smem:$0x3FB5];
	_ =	sdelay $0x3  }
0x36: {  	p1 =	seq.s32 s10, $0x1;
	s10 =	sld [smem:$0x3FB6];
	_ =	sdelay $0x3  }
0x37: {  	[smem:$0x3FB6] =	sst s10  }
0x38: {  	s10 =	sld [smem:$0x3FB7]  }
0x39: {  	_ = 	snop;
	(pc) =	sbr.ind lr, $3  }
0x3a: {  	_ = 	snop  }
0x3b: {  	_ = 	snop  }
0x3c: {  	p2 =	seq.s32 s10, $0x1;
	s10 =	sld [smem:$0x3FB6]  }
0x3d: {  	_ =	shalt  }
0x3e: {  	_ =	shalt  }
0x3f: {  	_ =	shalt  }
0x40: {  	_ =	shalt  }
0x41: {  	_ =	shalt  }
0x42: {  	_ =	shalt  }
0x43: {  	_ =	shalt  }
0x44: {  	_ =	shalt  }
0x45: {  	_ =	shalt  }
0x46: {  	_ =	shalt  }
0x47: {  	_ =	shalt  }
0x48: {  	_ =	shalt  }
0x49: {  	_ =	shalt  }
0x4a: {  	_ =	shalt  }
0x4b: {  	_ =	shalt  }
0x4c: {  	_ =	shalt  }
0x4d: {  	_ =	shalt  }
0x4e: {  	_ =	shalt  }
0x4f: {  	_ =	shalt  }
0x50: {  	_ =	shalt  }
0x51: {  	_ =	shalt  }
0x52: {  	_ =	shalt  }
0x53: {  	_ =	shalt  }
0x54: {  	_ =	shalt  }
0x55: {  	_ =	shalt  }
0x56: {  	_ =	shalt  }
0x57: {  	_ =	shalt  }
0x58: {  	_ =	shalt  }
0x59: {  	_ =	shalt  }
0x5a: {  	_ =	shalt  }
0x5b: {  	_ =	shalt  }
0x5c: {  	_ =	shalt  }
0x5d: {  	_ =	shalt  }
0x5e: {  	_ =	shalt  }
0x5f: {  	_ =	shalt  }
0x60: {  	_ =	shalt  }
0x61: {  	_ =	shalt  }
0x62: {  	_ =	shalt  }
0x63: {  	_ =	shalt  }
0x64: {  	_ =	shalt  }
0x65: {  	_ =	shalt  }
0x66: {  	_ =	shalt  }
0x67: {  	_ =	shalt  }
0x68: {  	_ =	shalt  }
0x69: {  	_ =	shalt  }
0x6a: {  	_ =	shalt  }
0x6b: {  	_ =	shalt  }
0x6c: {  	_ =	shalt  }
0x6d: {  	_ =	shalt  }
0x6e: {  	_ =	shalt  }
0x6f: {  	_ =	shalt  }
0x70: {  	_ =	shalt  }
0x71: {  	_ =	shalt  }
0x72: {  	_ =	shalt  }
0x73: {  	_ =	shalt  }
0x74: {  	_ =	shalt  }
0x75: {  	_ =	shalt  }
0x76: {  	_ =	shalt  }
0x77: {  	_ =	shalt  }
0x78: {  	_ =	shalt  }
0x79: {  	_ =	shalt  }
0x7a: {  	_ =	shalt  }
0x7b: {  	_ =	shalt  }
0x7c: {  	_ =	shalt  }
0x7d: {  	_ =	shalt  }
0x7e: {  	_ =	shalt  }
0x7f: {  	_ =	shalt  }
0x80: {  	_ =	shalt  }
0x81: {  	_ =	shalt  }
0x82: {  	_ =	shalt  }
0x83: {  	_ =	shalt  }
0x84: {  	_ =	shalt  }
0x85: {  	_ =	shalt  }
0x86: {  	_ =	shalt  }
0x87: {  	_ =	shalt  }
.Lfunc_end0:
.L_simem_size_0:
called_computation.1_lowered:
.L_overlay_start_0:
0x88: {  	s2 =	sld [smem:$0x3FD9]  }
0x89: {  	s3 =	sld [smem:$0x3FFE];
	_ =	sdelay $0x1  }
0x8a: {  	s1 =	srdreg.scid  }
0x8b: {  	s0 =	sand.u32 $0x1, s1  }
0x8c: {  	s17 =	sshll.u32 s0, $0xA;
	s2 =	sadd.s32 s3, s2  }
0x8d: {  	s2 =	sadd.s32 s2, s17  }
0x8e: {  	[smem:$0x3FC2] =	sst s2  }
0x8f: {  	_ = 	snop  }
0x90: {  	s2 =	sld [smem:$0x3FD0];
	(tm) =	ssettm $0x1  }
0x91: {  	s18 =	sld [smem:$0x3FFB];
	_ =	sdelay $0x3  }
0x92: {  	_ =	strace s18  }
0x93: {  	s3 =	sld [smem:$0x3FFC];
	_ =	sdelay $0x3  }
0x94: {  	_ =	strace s3  }
0x95: {  	s3 =	sld [smem:$0x3FFD];
	_ =	sdelay $0x3  }
0x96: {  	_ =	strace s3  }
0x97: {  	_ =	strace $0x8FFFFFFF  }
0x98: {  	s19 =	sld [smem:$0x3FDB];
	_ =	sdelay $0x1  }
0x99: {  	s4 =	simm.s32 $_scs_section_size  }
0x9a: {  	s5 =	simm.s32 $_size__tile_overlayer_lowered;
	s6 =	simm.s32 $_tile_overlayer_lowered  }
0x9b: {  	s22 =	simm.s32 $0x1BFF;
	s21 =	sshll.u32 s6, $0x1;
	s3 =	sadd.s32 s4, s19  }
0x9c: {  	s7 =	simm.s32 $0x0;
	s20 =	sshll.u32 s5, $0x1;
	s5 =	sadd.s32 s21, s3  }
0x9d: {  	[timem:s7], [sflag:s22] =	dma.local [hbm:s5], s20  }
0x9e: {  	_ =	swait.ge [sflag:s22], s20  }
0x9f: {  	s4 =	ssub.s32 $0x0, s20;
	[sflag:s22] =	ssyncset.done $0x0  }
0xa0: {  	[sflag:s22] =	ssyncadd.s32 s4;
	_ =	sdelay $0x1  }
0xa1: {  	s23 =	simm.s32 $0x1B8B  }
0xa2: {  	_ =	swait.ge [sflag:s23], $0x1  }
0xa3: {  	[sflag:s23] =	ssyncset.done $0x0  }
0xa4: {  	s25 =	simm.s32 $0x1B8E;
	s24 =	sld [smem:$0x3FFE];
	[sflag:s23] =	ssyncadd.s32 $0xFFFFFFFF  }
0xa5: {  	s26 =	simm.s32 $execute0_lowered;
	[smem:$0x3FD2] =	sst s25  }
0xa6: {  	s5 =	sshll.u32 s26, $0x1;
	_ =	strace $0x80000049;
	[dreg:$0x1] =	wrdreg $0xFFFFFFFF  }
0xa7: {  	s28 =	simm.s32 $_size_execute0_lowered;
	s3 =	sadd.s32 s3, s5;
	[dreg:$0x0] =	wrdreg $0x0  }
0xa8: {  	s5 =	sshll.u32 s28, $0x1;
	[dreg:$0x2] =	wrdreg s3  }
0xa9: {  	[dreg:$0x3] =	wrdreg s5  }
0xaa: {  	[dreg:$0x4] =	wrdreg $0xC0  }
0xab: {  	_ =	task [dreg:s7], $0x5FFFF  }
0xac: {  	[dreg:$0x1] =	wrdreg $0xFFFFFFFF  }
0xad: {  	[dreg:$0x0] =	wrdreg $0x60  }
0xae: {  	[dreg:$0x2] =	wrdreg s24  }
0xaf: {  	[dreg:$0x3] =	wrdreg s2  }
0xb0: {  	[dreg:$0x4] =	wrdreg $0x100400  }
0xb1: {  	[dreg:$0x5] =	wrdreg $0x14E600  }
0xb2: {  	[dreg:$0x6] =	wrdreg $0x9  }
0xb3: {  	_ =	task.clear_ibuf [dreg:s7], $0x7FFFF;
	_ =	strace $0x90000049  }
0xb4: {  	s29 =	simm.s32 $0x9;
	_ =	strace $0x8000004B  }
0xb5: {  	_ =	swait.ge [sflag:s29], $0x1  }
0xb6: {  	[sflag:s29] =	ssyncadd.s32 $0xFFFFFFFF  }
0xb7: {  	_ =	strace $0x9000004B  }
0xb8: {  	_ =	sfence  }
0xb9: {  	s30 =	sld [smem:$0x0];
	_ =	sdelay $0x2  }
0xba: {  	s31 =	sshll.u32 s1, $0xD;
	s1 =	sshrl.u32 s1, $0x2  }
0xbb: {  	s3 =	sand.u32 $0x4000, s31;
	s1 =	sadd.s32 s1, s30  }
0xbc: {  	s0 =	sor.u32 s3, s0;
	s1 =	sshll.u32 s1, $0x11  }
0xbd: {  	s0 =	sor.u32 s1, s0  }
0xbe: {  	s0 =	sadd.s32 $0x8F2B, s0  }
0xbf: {  	[sflag:s0] =	ssyncadd.remote.s32 $0x1  }
0xc0: {  	_ =	sfence.sel $0xFFFF  }
0xc1: {  	[dreg:$0x0] =	wrdreg $0xFFFFFFFF;
	(pc) =	sbr.abs _section_cstart, $3  }
0xc2: {  	[dreg:$0x1] =	wrdreg $0xFFFFFFFF  }
0xc3: {  	_ =	task.clear_ibuf [dreg:s7], $0x2FFFF;
	_ =	strace $0x9FFFFFFF  }
0xc4: {  	(tm) =	ssettm $0x7FFFFFFF  }
0xc5: {  	_ =	shalt  }
tec
execute0_lowered:
.L_overlay_start_1:
0x0: {  	(tag) =	ssettag $0x1  }
0x1: {  	s0 =	rddreg [dreg:$0x0]  }
0x2: {  	s1 =	rddreg [dreg:$0x1];
	s3 =	srdreg.scid  }
0x3: {  	s11 =	stileid.u32;
	s2 =	rddreg [dreg:$0x2]  }
0x4: {  	s4 =	simm.s32 $0x0;
	s13 =	simm.s32 $0x1;
	s14 =	simm.s32 $0x4  }
0x5: {  	s15 =	simm.s32 $0x8;
	s16 =	simm.s32 $0x5;
	s19 =	simm.s32 $0xC8  }
0x6: {  	s20 =	simm.s32 $0x9C40;
	s21 =	simm.s32 $0xB540;
	s28 =	simm.s32 $0x3  }
0x7: {  	s29 =	simm.s32 $0x9920;
	s30 =	simm.s32 $0x99E8;
	s6 =	smul.u32 $0x13880, s11  }
0x8: {  	s5 =	sand.u32 $0x1, s3;
	s3 =	rddreg [dreg:$0x3];
	s9 =	smul.u32 $0x9C4, s11  }
0x9: {  	s31 =	simm.s32 $0x9AB0;
	[smem:$0x7FF] =	sst s4;
	s24 =	smul.u32 $0x14000, s11  }
0xa: {  	s25 =	sshll.u32 s11, $0x6;
	s8 =	sshll.u32 s5, $0x6;
	_ =	strace $0x8000004A  }
0xb: {  	s10 =	ssub.s32 $0x2, s5;
	s5 =	sadd.s32 $0xC00, s0;
	s7 =	sor.u32 s8, s6  }
0xc: {  	s9 =	sadd.s32 s9, s0;
	s23 =	sshrl.u32 s10, $0x1;
	s6 =	sshrl.u32 s6, $0x2  }
0xd: {  	s26 =	sshrl.u32 s24, $0x2;
	s7 =	sshrl.u32 s7, $0x4;
	s12 =	sadd.s32 s6, s2  }
0xe: {  	s17 =	sadd.s32 s26, s3;
	s26 =	simm.s32 $0x2;
	s7 =	sadd.s32 s7, s0  }
0xf: {  	s0 =	ssub.s32 s10, s23;
	s10 =	sor.u32 s8, s24;
	s8 =	sadd.s32 $0x1EE00, s9  }
0x10: {  	s9 =	sadd.s32 $0x15000, s9;
	s12 =	sshrl.u32 s12, $0x3;
	s17 =	sshrl.u32 s17, $0x3  }
0x11: {  	s23 =	simm.s32 $0xCE40;
	s6 =	sadd.s32 $0x1600, s7;
	s7 =	sor.u32 $0x1C05, s25  }
0x12: {  	s10 =	sshrl.u32 s10, $0x4;
	s11 =	smax.u32 s0, $0x1;
	s25 =	simm.s32 $0xE740  }
0x13: {  	s0 =	simm.s32 $0x0;
	s10 =	sadd.s32 s1, s10;
	s1 =	simm.s32 $0x9B78  }
.LBB2_1:
0x14: {  	[spmem:s12@s14], [sflag:s7] =	dma.strided [hbm:s6@s15], $0x9C4, s13, $0x4   }
0x15: {  	_ =	swait.ge [sflag:s16], $0x9C4  }
0x16: {  	[sflag:s16] =	ssyncset.done $0x0  }
0x17: {  	[sflag:s16] =	ssyncadd.s32 $0xFFFFF63C  }
0x18: {  	[spmem:s17], [sflag:s7] =	dma.local [hbm:s5], $0xA00  }
0x19: {  	_ =	swait.ge [sflag:s16], $0xA00  }
0x1a: {  	[sflag:s16] =	ssyncset.done $0x0  }
0x1b: {  	[sflag:s16] =	ssyncadd.s32 $0xFFFFF600  }
0x1c: {  	[tilespmem:s4], [sflag:$0x5] =	stream.linear.gather [hbm4b:s8+s4], $0x4E20, $0x38;
	[tilespmem:$0x19E60] =	vst v63  }
0x1d: {  	_ =	swait.ge [sflag:s16], $0x4E20  }
0x1e: {  	[sflag:s16] =	ssyncset.done $0x0  }
0x1f: {  	s18 =	simm.s32 $0x4E20;
	[sflag:s16] =	ssyncadd.s32 $0xFFFFB1E0  }
0x20: {  	[tilespmem:s18], [sflag:$0x5] =	stream.linear.gather [hbm4b:s9+s4], $0x4E20, $0x38;
	[tilespmem:$0x19E60] =	vst v63  }
0x21: {  	_ =	swait.ge [sflag:s16], $0x4E20  }
0x22: {  	[sflag:s16] =	ssyncset.done $0x0  }
0x23: {  	[sflag:s16] =	ssyncadd.s32 $0xFFFFB1E0  }
0x24: {  	[bflag:$0x0] =	sbarrier.arrive $0xFFFF  }
0x25: {  	[tilespmem:s20], [sflag:$0x1] =	stream.indirect.gather [spmem:s2], $0x20, s4, s19, $0xb8;
	[tilespmem:$0x19E60] =	vst v63  }
0x26: {  	_ = 	snop  }
0x27: {  	[tilespmem:s21], [sflag:$0x2] =	stream.indirect.gather [spmem:s2], $0x20, s19, s19, $0xb8;
	[tilespmem:$0x19E60] =	vst v63  }
0x28: {  	s24 =	simm.s32 $0x190  }
0x29: {  	[tilespmem:s23], [sflag:$0x3] =	stream.indirect.gather [spmem:s2], $0x20, s24, s19, $0xb8;
	[tilespmem:$0x19E60] =	vst v63  }
0x2a: {  	s22 =	simm.s32 $0x258  }
0x2b: {  	[tilespmem:s25], [sflag:$0x4] =	stream.indirect.gather [spmem:s2], $0x20, s22, s19, $0xb8;
	[tilespmem:$0x19E60] =	vst v63  }
0x2c: {  	_ =	swait.ge [sflag:s13], $0x1900  }
0x2d: {  	[sflag:s13] =	ssyncset.done $0x0  }
0x2e: {  	s24 =	simm.s32 $0x4E20;
	[sflag:s13] =	ssyncadd.s32 $0xFFFFE700  }
0x2f: {  	[spmem:s3] =	stream.indirect.scatter.add.bf16 [tilespmem:s20], [sflag:$0x5], $0x20, s24, s19, $0xb8;
	[tilespmem:$0x19E60] =	vst v63  }
0x30: {  	_ =	swait.ge [sflag:s16], $0x1900  }
0x31: {  	[sflag:s16] =	ssyncset.done $0x0  }
0x32: {  	s22 =	simm.s32 $0x320;
	[sflag:s16] =	ssyncadd.s32 $0xFFFFE700  }
0x33: {  	[tilespmem:s20], [sflag:$0x1] =	stream.indirect.gather [spmem:s2], $0x20, s22, s19, $0xb8;
	[tilespmem:$0x19E60] =	vst v63  }
0x34: {  	_ =	swait.ge [sflag:s26], $0x1900  }
0x35: {  	[sflag:s26] =	ssyncset.done $0x0  }
0x36: {  	s24 =	simm.s32 $0x4EE8;
	[sflag:s26] =	ssyncadd.s32 $0xFFFFE700  }
0x37: {  	[spmem:s3] =	stream.indirect.scatter.add.bf16 [tilespmem:s21], [sflag:$0x5], $0x20, s24, s19, $0xb8;
	[tilespmem:$0x19E60] =	vst v63  }
0x38: {  	_ =	swait.ge [sflag:s16], $0x1900  }
0x39: {  	[sflag:s16] =	ssyncset.done $0x0  }
0x3a: {  	s22 =	simm.s32 $0x3E8;
	[sflag:s16] =	ssyncadd.s32 $0xFFFFE700  }
0x3b: {  	[tilespmem:s21], [sflag:$0x2] =	stream.indirect.gather [spmem:s2], $0x20, s22, s19, $0xb8;
	[tilespmem:$0x19E60] =	vst v63  }
0x3c: {  	_ =	swait.ge [sflag:s28], $0x1900  }
0x3d: {  	[sflag:s28] =	ssyncset.done $0x0  }
0x3e: {  	s24 =	simm.s32 $0x4FB0;
	[sflag:s28] =	ssyncadd.s32 $0xFFFFE700  }
0x3f: {  	[spmem:s3] =	stream.indirect.scatter.add.bf16 [tilespmem:s23], [sflag:$0x5], $0x20, s24, s19, $0xb8;
	[tilespmem:$0x19E60] =	vst v63  }
0x40: {  	_ =	swait.ge [sflag:s16], $0x1900  }
0x41: {  	[sflag:s16] =	ssyncset.done $0x0  }
0x42: {  	s22 =	simm.s32 $0x4B0;
	[sflag:s16] =	ssyncadd.s32 $0xFFFFE700  }
0x43: {  	[tilespmem:s23], [sflag:$0x3] =	stream.indirect.gather [spmem:s2], $0x20, s22, s19, $0xb8;
	[tilespmem:$0x19E60] =	vst v63  }
0x44: {  	_ =	swait.ge [sflag:s14], $0x1900  }
0x45: {  	[sflag:s14] =	ssyncset.done $0x0  }
0x46: {  	s24 =	simm.s32 $0x5078;
	[sflag:s14] =	ssyncadd.s32 $0xFFFFE700  }
0x47: {  	[spmem:s3] =	stream.indirect.scatter.add.bf16 [tilespmem:s25], [sflag:$0x5], $0x20, s24, s19, $0xb8;
	[tilespmem:$0x19E60] =	vst v63  }
0x48: {  	_ =	swait.ge [sflag:s16], $0x1900  }
0x49: {  	[sflag:s16] =	ssyncset.done $0x0  }
0x4a: {  	s18 =	simm.s32 $0xC80;
	s22 =	simm.s32 $0x578;
	[sflag:s16] =	ssyncadd.s32 $0xFFFFE700  }
.LBB2_2:
0x4b: {  	[tilespmem:s25], [sflag:$0x4] =	stream.indirect.gather [spmem:s2], $0x20, s22, s19, $0xb8;
	[tilespmem:$0x19E60] =	vst v63  }
0x4c: {  	s22 =	smov.u32 s18  }
0x4d: {  	p0 =	sne.s32 s18, $0x11F80;
	s18 =	sadd.s32 $0xC80, s18;
	_ =	swait.ge [sflag:s13], $0x1900  }
0x4e: {  	s22 =	sshra.s32 s22, $0x2;
	[sflag:s13] =	ssyncset.done $0x0  }
0x4f: {  	s24 =	sadd.s32 $0x4E20, s22;
	[sflag:s13] =	ssyncadd.s32 $0xFFFFE700  }
0x50: {  	[spmem:s3] =	stream.indirect.scatter.add.bf16 [tilespmem:s20], [sflag:$0x5], $0x20, s24, s19, $0xb8;
	[tilespmem:$0x19E60] =	vst v63  }
0x51: {  	_ =	swait.ge [sflag:s16], $0x1900  }
0x52: {  	[sflag:s16] =	ssyncset.done $0x0  }
0x53: {  	s24 =	sadd.s32 $0x320, s22;
	[sflag:s16] =	ssyncadd.s32 $0xFFFFE700  }
0x54: {  	[tilespmem:s20], [sflag:$0x1] =	stream.indirect.gather [spmem:s2], $0x20, s24, s19, $0xb8;
	[tilespmem:$0x19E60] =	vst v63  }
0x55: {  	_ =	swait.ge [sflag:s26], $0x1900  }
0x56: {  	[sflag:s26] =	ssyncset.done $0x0  }
0x57: {  	s24 =	sadd.s32 $0x4EE8, s22;
	[sflag:s26] =	ssyncadd.s32 $0xFFFFE700  }
0x58: {  	[spmem:s3] =	stream.indirect.scatter.add.bf16 [tilespmem:s21], [sflag:$0x5], $0x20, s24, s19, $0xb8;
	[tilespmem:$0x19E60] =	vst v63  }
0x59: {  	_ =	swait.ge [sflag:s16], $0x1900  }
0x5a: {  	[sflag:s16] =	ssyncset.done $0x0  }
0x5b: {  	s24 =	sadd.s32 $0x3E8, s22;
	[sflag:s16] =	ssyncadd.s32 $0xFFFFE700  }
0x5c: {  	[tilespmem:s21], [sflag:$0x2] =	stream.indirect.gather [spmem:s2], $0x20, s24, s19, $0xb8;
	[tilespmem:$0x19E60] =	vst v63  }
0x5d: {  	_ =	swait.ge [sflag:s28], $0x1900  }
0x5e: {  	[sflag:s28] =	ssyncset.done $0x0  }
0x5f: {  	s24 =	sadd.s32 $0x4FB0, s22;
	[sflag:s28] =	ssyncadd.s32 $0xFFFFE700  }
0x60: {  	[spmem:s3] =	stream.indirect.scatter.add.bf16 [tilespmem:s23], [sflag:$0x5], $0x20, s24, s19, $0xb8;
	[tilespmem:$0x19E60] =	vst v63  }
0x61: {  	_ =	swait.ge [sflag:s16], $0x1900  }
0x62: {  	[sflag:s16] =	ssyncset.done $0x0  }
0x63: {  	s24 =	sadd.s32 $0x4B0, s22;
	[sflag:s16] =	ssyncadd.s32 $0xFFFFE700  }
0x64: {  	[tilespmem:s23], [sflag:$0x3] =	stream.indirect.gather [spmem:s2], $0x20, s24, s19, $0xb8;
	[tilespmem:$0x19E60] =	vst v63  }
0x65: {  	_ =	swait.ge [sflag:s14], $0x1900  }
0x66: {  	[sflag:s14] =	ssyncset.done $0x0  }
.Ltmp0:
0x67: {  	s24 =	sadd.s32 $0x5078, s22;
	[sflag:s14] =	ssyncadd.s32 $0xFFFFE700;
	(pc) =	sbr.rel @p0 .LBB2_2-.Ltmp0, $4  }
0x68: {  	[spmem:s3] =	stream.indirect.scatter.add.bf16 [tilespmem:s25], [sflag:$0x5], $0x20, s24, s19, $0xb8;
	[tilespmem:$0x19E60] =	vst v63  }
0x69: {  	_ =	swait.ge [sflag:s16], $0x1900  }
0x6a: {  	[sflag:s16] =	ssyncset.done $0x0  }
0x6b: {  	s22 =	sadd.s32 $0x578, s22;
	[sflag:s16] =	ssyncadd.s32 $0xFFFFE700  }
0x6c: {  	[tilespmem:s25], [sflag:$0x4] =	stream.indirect.gather [spmem:s2], $0x20, s22, s19, $0xb8;
	[tilespmem:$0x19E60] =	vst v63  }
0x6d: {  	_ =	swait.ge [sflag:s13], $0x1900  }
0x6e: {  	[sflag:s13] =	ssyncset.done $0x0  }
0x6f: {  	[sflag:s13] =	ssyncadd.s32 $0xFFFFE700  }
0x70: {  	[spmem:s3] =	stream.indirect.scatter.add.bf16 [tilespmem:s20], [sflag:$0x5], $0x20, s29, s19, $0xb8;
	[tilespmem:$0x19E60] =	vst v63  }
0x71: {  	_ =	swait.ge [sflag:s16], $0x1900  }
0x72: {  	[sflag:s16] =	ssyncset.done $0x0  }
0x73: {  	[sflag:s16] =	ssyncadd.s32 $0xFFFFE700  }
0x74: {  	_ =	swait.ge [sflag:s26], $0x1900  }
0x75: {  	[sflag:s26] =	ssyncset.done $0x0  }
0x76: {  	[sflag:s26] =	ssyncadd.s32 $0xFFFFE700  }
0x77: {  	[spmem:s3] =	stream.indirect.scatter.add.bf16 [tilespmem:s21], [sflag:$0x5], $0x20, s30, s19, $0xb8;
	[tilespmem:$0x19E60] =	vst v63  }
0x78: {  	_ =	swait.ge [sflag:s16], $0x1900  }
0x79: {  	[sflag:s16] =	ssyncset.done $0x0  }
0x7a: {  	[sflag:s16] =	ssyncadd.s32 $0xFFFFE700  }
0x7b: {  	_ =	swait.ge [sflag:s28], $0x1900  }
0x7c: {  	[sflag:s28] =	ssyncset.done $0x0  }
0x7d: {  	[sflag:s28] =	ssyncadd.s32 $0xFFFFE700  }
0x7e: {  	[spmem:s3] =	stream.indirect.scatter.add.bf16 [tilespmem:s23], [sflag:$0x5], $0x20, s31, s19, $0xb8;
	[tilespmem:$0x19E60] =	vst v63  }
0x7f: {  	_ =	swait.ge [sflag:s16], $0x1900  }
0x80: {  	[sflag:s16] =	ssyncset.done $0x0  }
0x81: {  	[sflag:s16] =	ssyncadd.s32 $0xFFFFE700  }
0x82: {  	_ =	swait.ge [sflag:s14], $0x1900  }
0x83: {  	[sflag:s14] =	ssyncset.done $0x0  }
0x84: {  	[sflag:s14] =	ssyncadd.s32 $0xFFFFE700  }
0x85: {  	[spmem:s3] =	stream.indirect.scatter.add.bf16 [tilespmem:s25], [sflag:$0x5], $0x20, s1, s19, $0xb8;
	[tilespmem:$0x19E60] =	vst v63  }
0x86: {  	_ =	swait.ge [sflag:s16], $0x1900  }
0x87: {  	s0 =	sadd.s32 $0x1, s0;
	[sflag:s16] =	ssyncset.done $0x0  }
0x88: {  	p0 =	sne.s32 s0, s11;
	[sflag:s16] =	ssyncadd.s32 $0xFFFFE700  }
.Ltmp1:
0x89: {  	[bflag:$0x0] =	sbarrier.arrive $0xFFFF;
	(pc) =	sbr.rel @p0 .LBB2_1-.Ltmp1, $4  }
0x8a: {  	[hbm:s10@s15], [sflag:s7] =	dma.strided [spmem:s17@s14], $0xA00, s13, $0x4   }
0x8b: {  	_ =	swait.ge [sflag:s16], $0xA00  }
0x8c: {  	[sflag:s16] =	ssyncset.done $0x0  }
0x8d: {  	[sflag:s16] =	ssyncadd.s32 $0xFFFFF600  }
0x8e: {  	_ =	sfence.sel $0x180000  }
0x8f: {  	[bflag:$0x0] =	sbarrier.arrive $0xFFFF  }
0x90: {  	_ =	strace $0x9000004A  }
0x91: {  	s0 =	stileid.u32;
	[bflag:$0x2] =	sbarrier.arrive $0xFFFF  }
0x92: {  	p0 =	sne.s32 s0, $0x0;
	s0 =	rddreg [dreg:$0x4]  }
0x93: {  	s0 =	sadd.s32 @!p0 $0x100000, s0  }
0x94: {  	[sflag:s0] =	ssyncadd.tile.s32 @!p0 $0x1;
	_ =	shalt  }
.Lfunc_end2:
_tile_overlayer_lowered:
.L_overlay_start_2:
0x95: {  	(tag) =	ssettag $0x2  }
0x96: {  	s0 =	rddreg [dreg:$0x0];
	s2 =	stileid.u32  }
0x97: {  	s1 =	rddreg [dreg:$0x1];
	p0 =	sne.s32 s2, $0x0  }
0x98: {  	s3 =	rddreg [dreg:$0x2];
	[bflag:$0x3] =	sbarrier.arrive $0xFFFF;
	s2 =	simm.s32 @!p0 $0x1C05  }
0x99: {  	[timem:s3], [sflag:s2] =	dma.local @!p0 [hbm:s0], s1  }
0x9a: {  	s0 =	simm.s32 @!p0 $0x5  }
0x9b: {  	_ =	swait.ge @!p0 [sflag:s0], s1  }
0x9c: {  	s1 =	ssub.s32 @!p0 $0x0, s1;
	[sflag:s0] =	ssyncset.done @!p0 $0x0  }
0x9d: {  	[sflag:s0] =	ssyncadd.s32 @!p0 s1  }
0x9e: {  	[bflag:$0x3] =	sbarrier.arrive $0xFFFF  }
0x9f: {  	_ =	shalt  }

// kernel: kernel.7.cloned.1.call-start
scs
__scs_entry_jumppad:
0x0: {  	(pc) =	sbr.rel $0x88, $3  }
0x1: {  	(tag) =	ssettag $0x0;
	lr =	simm.s32 $0x1  }
0x2: {  	[smem:$0x3F9B] =	sst lr;
	_ =	strace $0xD0000000  }
0x3: {  	_ = 	snop  }
0x4: {  	_ = 	snop  }
0x5: {  	_ = 	snop  }
0x6: {  	_ = 	snop  }
0x7: {  	_ = 	snop  }
__scs_overlays_trampoline_lowered:
0x8: {  	[smem:$0x3FAA] =	sst s0  }
0x9: {  	[smem:$0x3FAB] =	sst s1  }
0xa: {  	[smem:$0x3FAC] =	sst s2  }
0xb: {  	[smem:$0x3FAD] =	sst s3  }
0xc: {  	[smem:$0x3FAE] =	sst s4  }
0xd: {  	[smem:$0x3FAF] =	sst s5  }
0xe: {  	[smem:$0x3FB0] =	sst s6  }
0xf: {  	[smem:$0x3FB1] =	sst s7  }
0x10: {  	[smem:$0x3FB2] =	sst s8  }
0x11: {  	[smem:$0x3FB3] =	sst s9;
	s0 =	simm.s32 @!p0 $0x0  }
0x12: {  	s1 =	sld [smem:$0x3F99];
	s0 =	simm.s32 @p0 $0x1  }
0x13: {  	[smem:$0x3FB4] =	sst s0;
	s0 =	simm.s32 @!p1 $0x0  }
0x14: {  	s2 =	sld [smem:$0x3F98];
	s0 =	simm.s32 @p1 $0x1  }
0x15: {  	[smem:$0x3FB5] =	sst s0;
	s0 =	simm.s32 @!p2 $0x0  }
0x16: {  	s3 =	sld [smem:$0x3FDB];
	s0 =	simm.s32 @p2 $0x1  }
0x17: {  	s4 =	simm.s32 $0x1BF5;
	[smem:$0x3FB7] =	sst s0  }
0x18: {  	s0 =	sld [smem:$0x3F9A];
	_ =	swait.ge [sflag:s4], $0x0  }
0x19: {  	s7 =	sld [smem:$0x3F9B]  }
0x1a: {  	s8 =	sadd.s32 $0xFFFFE003, lr  }
0x1b: {  	s9 =	sadd.s32 $0xFFFFFEF7, lr;
	s5 =	simm.s32 $0xFFFFFFFF;
	p2 =	slt.u32 s8, $0xFFFFF086  }
0x1c: {  	p1 =	slt.u32 s9, $0xF7A;
	s5 =	simm.s32 @!p2 $0x0  }
0x1d: {  	s5 =	simm.s32 @p1 $0x1;
	p0 =	seq.s32 s7, s2  }
0x1e: {  	s7 =	smul.u32 @!p0 $0xF7A, s2;
	p2 =	seq.s32 @!p0 s5, $0x0  }
0x1f: {  	s9 =	smul.u32 $0xF7A, s1;
	s8 =	simm.s32 @!p0 $0x1BF5;
	p2 =	por !p2, p0  }
0x20: {  	[sflag:s8] =	ssyncset.s32 @!p0 $0xFFFFF086;
	s6 =	sadd.s32 @!p0 s3, s7;
	s7 =	simm.s32 @!p0 $0x108  }
0x21: {  	s3 =	sadd.s32 s3, s9;
	s6 =	sadd.s32 @!p0 $0x88, s6;
	s7 =	simm.s32 @p2 $0x1082  }
0x22: {  	[simem:s7], [sflag:s8] =	dma.local @!p0 [hbm:s6], $0xF7A  }
0x23: {  	s9 =	sor.u32 $0xD0000000, s2;
	s6 =	simm.s32 $0x108;
	_ =	swait.ge @!p0 [sflag:s8], $0x0  }
0x24: {  	s3 =	sadd.s32 $0x88, s3;
	s6 =	simm.s32 @!p1 $0x1082;
	[sflag:s4] =	ssyncset.s32 $0xFFFFF086  }
0x25: {  	[simem:s6], [sflag:s4] =	dma.local [hbm:s3], $0xF7A  }
0x26: {  	[smem:$0x3F9B] =	sst s1;
	(tag) =	ssettag s2;
	_ =	strace s9  }
0x27: {  	s1 =	sld [smem:$0x3FAB]  }
0x28: {  	s2 =	sld [smem:$0x3FAC]  }
0x29: {  	s4 =	sld [smem:$0x3FAE]  }
0x2a: {  	p0 =	seq.s32 s5, $0x0;
	s5 =	sld [smem:$0x3FAF]  }
0x2b: {  	s6 =	sld [smem:$0x3FB0]  }
0x2c: {  	s7 =	sld [smem:$0x3FB1]  }
0x2d: {  	s3 =	simm.s32 $0x108;
	s8 =	sld [smem:$0x3FB2]  }
0x2e: {  	s3 =	simm.s32 @!p0 $0x1082;
	s9 =	sld [smem:$0x3FB3]  }
0x2f: {  	lr =	sadd.s32 s0, s3;
	s0 =	sld [smem:$0x3FAA]  }
0x30: {  	s3 =	sld [smem:$0x3FAD]  }
0x31: {  	[smem:$0x3FB6] =	sst s10  }
0x32: {  	s10 =	sld [smem:$0x3FB4];
	_ =	sdelay $0x3  }
0x33: {  	p0 =	seq.s32 s10, $0x1;
	s10 =	sld [smem:$0x3FB6];
	_ =	sdelay $0x3  }
0x34: {  	[smem:$0x3FB6] =	sst s10  }
0x35: {  	s10 =	sld [smem:$0x3FB5];
	_ =	sdelay $0x3  }
0x36: {  	p1 =	seq.s32 s10, $0x1;
	s10 =	sld [smem:$0x3FB6];
	_ =	sdelay $0x3  }
0x37: {  	[smem:$0x3FB6] =	sst s10  }
0x38: {  	s10 =	sld [smem:$0x3FB7]  }
0x39: {  	_ = 	snop;
	(pc) =	sbr.ind lr, $3  }
0x3a: {  	_ = 	snop  }
0x3b: {  	_ = 	snop  }
0x3c: {  	p2 =	seq.s32 s10, $0x1;
	s10 =	sld [smem:$0x3FB6]  }
0x3d: {  	_ =	shalt  }
0x3e: {  	_ =	shalt  }
0x3f: {  	_ =	shalt  }
0x40: {  	_ =	shalt  }
0x41: {  	_ =	shalt  }
0x42: {  	_ =	shalt  }
0x43: {  	_ =	shalt  }
0x44: {  	_ =	shalt  }
0x45: {  	_ =	shalt  }
0x46: {  	_ =	shalt  }
0x47: {  	_ =	shalt  }
0x48: {  	_ =	shalt  }
0x49: {  	_ =	shalt  }
0x4a: {  	_ =	shalt  }
0x4b: {  	_ =	shalt  }
0x4c: {  	_ =	shalt  }
0x4d: {  	_ =	shalt  }
0x4e: {  	_ =	shalt  }
0x4f: {  	_ =	shalt  }
0x50: {  	_ =	shalt  }
0x51: {  	_ =	shalt  }
0x52: {  	_ =	shalt  }
0x53: {  	_ =	shalt  }
0x54: {  	_ =	shalt  }
0x55: {  	_ =	shalt  }
0x56: {  	_ =	shalt  }
0x57: {  	_ =	shalt  }
0x58: {  	_ =	shalt  }
0x59: {  	_ =	shalt  }
0x5a: {  	_ =	shalt  }
0x5b: {  	_ =	shalt  }
0x5c: {  	_ =	shalt  }
0x5d: {  	_ =	shalt  }
0x5e: {  	_ =	shalt  }
0x5f: {  	_ =	shalt  }
0x60: {  	_ =	shalt  }
0x61: {  	_ =	shalt  }
0x62: {  	_ =	shalt  }
0x63: {  	_ =	shalt  }
0x64: {  	_ =	shalt  }
0x65: {  	_ =	shalt  }
0x66: {  	_ =	shalt  }
0x67: {  	_ =	shalt  }
0x68: {  	_ =	shalt  }
0x69: {  	_ =	shalt  }
0x6a: {  	_ =	shalt  }
0x6b: {  	_ =	shalt  }
0x6c: {  	_ =	shalt  }
0x6d: {  	_ =	shalt  }
0x6e: {  	_ =	shalt  }
0x6f: {  	_ =	shalt  }
0x70: {  	_ =	shalt  }
0x71: {  	_ =	shalt  }
0x72: {  	_ =	shalt  }
0x73: {  	_ =	shalt  }
0x74: {  	_ =	shalt  }
0x75: {  	_ =	shalt  }
0x76: {  	_ =	shalt  }
0x77: {  	_ =	shalt  }
0x78: {  	_ =	shalt  }
0x79: {  	_ =	shalt  }
0x7a: {  	_ =	shalt  }
0x7b: {  	_ =	shalt  }
0x7c: {  	_ =	shalt  }
0x7d: {  	_ =	shalt  }
0x7e: {  	_ =	shalt  }
0x7f: {  	_ =	shalt  }
0x80: {  	_ =	shalt  }
0x81: {  	_ =	shalt  }
0x82: {  	_ =	shalt  }
0x83: {  	_ =	shalt  }
0x84: {  	_ =	shalt  }
0x85: {  	_ =	shalt  }
0x86: {  	_ =	shalt  }
0x87: {  	_ =	shalt  }
.Lfunc_end0:
.L_simem_size_0:
called_computation_lowered:
.L_overlay_start_0:
0x88: {  	s2 =	sld [smem:$0x3FD9]  }
0x89: {  	s3 =	sld [smem:$0x3FFE];
	_ =	sdelay $0x1  }
0x8a: {  	s1 =	srdreg.scid  }
0x8b: {  	s0 =	sand.u32 $0x1, s1  }
0x8c: {  	s17 =	sshll.u32 s0, $0xA;
	s2 =	sadd.s32 s3, s2  }
0x8d: {  	s2 =	sadd.s32 s2, s17  }
0x8e: {  	[smem:$0x3FC2] =	sst s2  }
0x8f: {  	_ = 	snop  }
0x90: {  	s2 =	sld [smem:$0x3FD0];
	(tm) =	ssettm $0x1  }
0x91: {  	s18 =	sld [smem:$0x3FFB];
	_ =	sdelay $0x3  }
0x92: {  	_ =	strace s18  }
0x93: {  	s3 =	sld [smem:$0x3FFC];
	_ =	sdelay $0x3  }
0x94: {  	_ =	strace s3  }
0x95: {  	s3 =	sld [smem:$0x3FFD];
	_ =	sdelay $0x3  }
0x96: {  	_ =	strace s3  }
0x97: {  	_ =	strace $0x8FFFFFFF  }
0x98: {  	s19 =	sld [smem:$0x3FDB];
	_ =	sdelay $0x1  }
0x99: {  	s4 =	simm.s32 $_scs_section_size  }
0x9a: {  	s5 =	simm.s32 $_size__tile_overlayer_lowered;
	s6 =	simm.s32 $_tile_overlayer_lowered  }
0x9b: {  	s22 =	simm.s32 $0x1BFF;
	s21 =	sshll.u32 s6, $0x1;
	s3 =	sadd.s32 s4, s19  }
0x9c: {  	s7 =	simm.s32 $0x0;
	s20 =	sshll.u32 s5, $0x1;
	s5 =	sadd.s32 s21, s3  }
0x9d: {  	[timem:s7], [sflag:s22] =	dma.local [hbm:s5], s20  }
0x9e: {  	_ =	swait.ge [sflag:s22], s20  }
0x9f: {  	s4 =	ssub.s32 $0x0, s20;
	[sflag:s22] =	ssyncset.done $0x0  }
0xa0: {  	[sflag:s22] =	ssyncadd.s32 s4;
	_ =	sdelay $0x1  }
0xa1: {  	s23 =	simm.s32 $0x1B8B  }
0xa2: {  	_ =	swait.ge [sflag:s23], $0x1  }
0xa3: {  	[sflag:s23] =	ssyncset.done $0x0  }
0xa4: {  	s25 =	simm.s32 $0x1B8E;
	s24 =	sld [smem:$0x3FFE];
	[sflag:s23] =	ssyncadd.s32 $0xFFFFFFFF  }
0xa5: {  	s26 =	simm.s32 $execute0_lowered;
	[smem:$0x3FD2] =	sst s25  }
0xa6: {  	s5 =	sshll.u32 s26, $0x1;
	_ =	strace $0x80000046;
	[dreg:$0x1] =	wrdreg $0xFFFFFFFF  }
0xa7: {  	s28 =	simm.s32 $_size_execute0_lowered;
	s3 =	sadd.s32 s3, s5;
	[dreg:$0x0] =	wrdreg $0x0  }
0xa8: {  	s5 =	sshll.u32 s28, $0x1;
	[dreg:$0x2] =	wrdreg s3  }
0xa9: {  	[dreg:$0x3] =	wrdreg s5  }
0xaa: {  	[dreg:$0x4] =	wrdreg $0xC0  }
0xab: {  	_ =	task [dreg:s7], $0x5FFFF  }
0xac: {  	[dreg:$0x1] =	wrdreg $0xFFFFFFFF  }
0xad: {  	[dreg:$0x0] =	wrdreg $0x60  }
0xae: {  	[dreg:$0x2] =	wrdreg s24  }
0xaf: {  	[dreg:$0x3] =	wrdreg s2  }
0xb0: {  	[dreg:$0x4] =	wrdreg $0x100400  }
0xb1: {  	[dreg:$0x5] =	wrdreg $0x14E600  }
0xb2: {  	[dreg:$0x6] =	wrdreg $0x9  }
0xb3: {  	_ =	task.clear_ibuf [dreg:s7], $0x7FFFF;
	_ =	strace $0x90000046  }
0xb4: {  	s29 =	simm.s32 $0x9;
	_ =	strace $0x80000048  }
0xb5: {  	_ =	swait.ge [sflag:s29], $0x1  }
0xb6: {  	[sflag:s29] =	ssyncadd.s32 $0xFFFFFFFF  }
0xb7: {  	_ =	strace $0x90000048  }
0xb8: {  	_ =	sfence  }
0xb9: {  	s30 =	sld [smem:$0x0];
	_ =	sdelay $0x2  }
0xba: {  	s31 =	sshll.u32 s1, $0xD;
	s1 =	sshrl.u32 s1, $0x2  }
0xbb: {  	s3 =	sand.u32 $0x4000, s31;
	s1 =	sadd.s32 s1, s30  }
0xbc: {  	s0 =	sor.u32 s3, s0;
	s1 =	sshll.u32 s1, $0x11  }
0xbd: {  	s0 =	sor.u32 s1, s0  }
0xbe: {  	s0 =	sadd.s32 $0x8F2B, s0  }
0xbf: {  	[sflag:s0] =	ssyncadd.remote.s32 $0x1  }
0xc0: {  	_ =	sfence.sel $0xFFFF  }
0xc1: {  	[dreg:$0x0] =	wrdreg $0xFFFFFFFF;
	(pc) =	sbr.abs _section_cstart, $3  }
0xc2: {  	[dreg:$0x1] =	wrdreg $0xFFFFFFFF  }
0xc3: {  	_ =	task.clear_ibuf [dreg:s7], $0x2FFFF;
	_ =	strace $0x9FFFFFFF  }
0xc4: {  	(tm) =	ssettm $0x7FFFFFFF  }
0xc5: {  	_ =	shalt  }
tec
execute0_lowered:
.L_overlay_start_1:
0x0: {  	(tag) =	ssettag $0x1  }
0x1: {  	s0 =	rddreg [dreg:$0x0]  }
0x2: {  	s1 =	rddreg [dreg:$0x1];
	s3 =	srdreg.scid  }
0x3: {  	s11 =	stileid.u32;
	s2 =	rddreg [dreg:$0x2]  }
0x4: {  	s4 =	simm.s32 $0x0;
	s13 =	simm.s32 $0x1;
	s14 =	simm.s32 $0x4  }
0x5: {  	s15 =	simm.s32 $0x8;
	s16 =	simm.s32 $0x5;
	s19 =	simm.s32 $0xC8  }
0x6: {  	s20 =	simm.s32 $0x9C40;
	s21 =	simm.s32 $0xB540;
	s28 =	simm.s32 $0x3  }
0x7: {  	s29 =	simm.s32 $0x9920;
	s30 =	simm.s32 $0x99E8;
	s6 =	smul.u32 $0x13880, s11  }
0x8: {  	s5 =	sand.u32 $0x1, s3;
	s3 =	rddreg [dreg:$0x3];
	s9 =	smul.u32 $0x9C4, s11  }
0x9: {  	s31 =	simm.s32 $0x9AB0;
	[smem:$0x7FF] =	sst s4;
	s24 =	smul.u32 $0x14000, s11  }
0xa: {  	s25 =	sshll.u32 s11, $0x6;
	s8 =	sshll.u32 s5, $0x6;
	_ =	strace $0x80000047  }
0xb: {  	s10 =	ssub.s32 $0x2, s5;
	s5 =	sadd.s32 $0xC00, s0;
	s7 =	sor.u32 s8, s6  }
0xc: {  	s9 =	sadd.s32 s9, s0;
	s23 =	sshrl.u32 s10, $0x1;
	s6 =	sshrl.u32 s6, $0x2  }
0xd: {  	s26 =	sshrl.u32 s24, $0x2;
	s7 =	sshrl.u32 s7, $0x4;
	s12 =	sadd.s32 s6, s2  }
0xe: {  	s17 =	sadd.s32 s26, s3;
	s26 =	simm.s32 $0x2;
	s7 =	sadd.s32 s7, s0  }
0xf: {  	s0 =	ssub.s32 s10, s23;
	s10 =	sor.u32 s8, s24;
	s8 =	sadd.s32 $0x1EE00, s9  }
0x10: {  	s9 =	sadd.s32 $0x15000, s9;
	s12 =	sshrl.u32 s12, $0x3;
	s17 =	sshrl.u32 s17, $0x3  }
0x11: {  	s23 =	simm.s32 $0xCE40;
	s6 =	sadd.s32 $0x1600, s7;
	s7 =	sor.u32 $0x1C05, s25  }
0x12: {  	s10 =	sshrl.u32 s10, $0x4;
	s11 =	smax.u32 s0, $0x1;
	s25 =	simm.s32 $0xE740  }
0x13: {  	s0 =	simm.s32 $0x0;
	s10 =	sadd.s32 s1, s10;
	s1 =	simm.s32 $0x9B78  }
.LBB2_1:
0x14: {  	[spmem:s12@s14], [sflag:s7] =	dma.strided [hbm:s6@s15], $0x9C4, s13, $0x4   }
0x15: {  	_ =	swait.ge [sflag:s16], $0x9C4  }
0x16: {  	[sflag:s16] =	ssyncset.done $0x0  }
0x17: {  	[sflag:s16] =	ssyncadd.s32 $0xFFFFF63C  }
0x18: {  	[spmem:s17], [sflag:s7] =	dma.local [hbm:s5], $0xA00  }
0x19: {  	_ =	swait.ge [sflag:s16], $0xA00  }
0x1a: {  	[sflag:s16] =	ssyncset.done $0x0  }
0x1b: {  	[sflag:s16] =	ssyncadd.s32 $0xFFFFF600  }
0x1c: {  	[tilespmem:s4], [sflag:$0x5] =	stream.linear.gather [hbm4b:s8+s4], $0x4E20, $0x38;
	[tilespmem:$0x19E60] =	vst v63  }
0x1d: {  	_ =	swait.ge [sflag:s16], $0x4E20  }
0x1e: {  	[sflag:s16] =	ssyncset.done $0x0  }
0x1f: {  	s18 =	simm.s32 $0x4E20;
	[sflag:s16] =	ssyncadd.s32 $0xFFFFB1E0  }
0x20: {  	[tilespmem:s18], [sflag:$0x5] =	stream.linear.gather [hbm4b:s9+s4], $0x4E20, $0x38;
	[tilespmem:$0x19E60] =	vst v63  }
0x21: {  	_ =	swait.ge [sflag:s16], $0x4E20  }
0x22: {  	[sflag:s16] =	ssyncset.done $0x0  }
0x23: {  	[sflag:s16] =	ssyncadd.s32 $0xFFFFB1E0  }
0x24: {  	[bflag:$0x0] =	sbarrier.arrive $0xFFFF  }
0x25: {  	[tilespmem:s20], [sflag:$0x1] =	stream.indirect.gather [spmem:s2], $0x20, s4, s19, $0xb8;
	[tilespmem:$0x19E60] =	vst v63  }
0x26: {  	_ = 	snop  }
0x27: {  	[tilespmem:s21], [sflag:$0x2] =	stream.indirect.gather [spmem:s2], $0x20, s19, s19, $0xb8;
	[tilespmem:$0x19E60] =	vst v63  }
0x28: {  	s24 =	simm.s32 $0x190  }
0x29: {  	[tilespmem:s23], [sflag:$0x3] =	stream.indirect.gather [spmem:s2], $0x20, s24, s19, $0xb8;
	[tilespmem:$0x19E60] =	vst v63  }
0x2a: {  	s22 =	simm.s32 $0x258  }
0x2b: {  	[tilespmem:s25], [sflag:$0x4] =	stream.indirect.gather [spmem:s2], $0x20, s22, s19, $0xb8;
	[tilespmem:$0x19E60] =	vst v63  }
0x2c: {  	_ =	swait.ge [sflag:s13], $0x1900  }
0x2d: {  	[sflag:s13] =	ssyncset.done $0x0  }
0x2e: {  	s24 =	simm.s32 $0x4E20;
	[sflag:s13] =	ssyncadd.s32 $0xFFFFE700  }
0x2f: {  	[spmem:s3] =	stream.indirect.scatter.add.bf16 [tilespmem:s20], [sflag:$0x5], $0x20, s24, s19, $0xb8;
	[tilespmem:$0x19E60] =	vst v63  }
0x30: {  	_ =	swait.ge [sflag:s16], $0x1900  }
0x31: {  	[sflag:s16] =	ssyncset.done $0x0  }
0x32: {  	s22 =	simm.s32 $0x320;
	[sflag:s16] =	ssyncadd.s32 $0xFFFFE700  }
0x33: {  	[tilespmem:s20], [sflag:$0x1] =	stream.indirect.gather [spmem:s2], $0x20, s22, s19, $0xb8;
	[tilespmem:$0x19E60] =	vst v63  }
0x34: {  	_ =	swait.ge [sflag:s26], $0x1900  }
0x35: {  	[sflag:s26] =	ssyncset.done $0x0  }
0x36: {  	s24 =	simm.s32 $0x4EE8;
	[sflag:s26] =	ssyncadd.s32 $0xFFFFE700  }
0x37: {  	[spmem:s3] =	stream.indirect.scatter.add.bf16 [tilespmem:s21], [sflag:$0x5], $0x20, s24, s19, $0xb8;
	[tilespmem:$0x19E60] =	vst v63  }
0x38: {  	_ =	swait.ge [sflag:s16], $0x1900  }
0x39: {  	[sflag:s16] =	ssyncset.done $0x0  }
0x3a: {  	s22 =	simm.s32 $0x3E8;
	[sflag:s16] =	ssyncadd.s32 $0xFFFFE700  }
0x3b: {  	[tilespmem:s21], [sflag:$0x2] =	stream.indirect.gather [spmem:s2], $0x20, s22, s19, $0xb8;
	[tilespmem:$0x19E60] =	vst v63  }
0x3c: {  	_ =	swait.ge [sflag:s28], $0x1900  }
0x3d: {  	[sflag:s28] =	ssyncset.done $0x0  }
0x3e: {  	s24 =	simm.s32 $0x4FB0;
	[sflag:s28] =	ssyncadd.s32 $0xFFFFE700  }
0x3f: {  	[spmem:s3] =	stream.indirect.scatter.add.bf16 [tilespmem:s23], [sflag:$0x5], $0x20, s24, s19, $0xb8;
	[tilespmem:$0x19E60] =	vst v63  }
0x40: {  	_ =	swait.ge [sflag:s16], $0x1900  }
0x41: {  	[sflag:s16] =	ssyncset.done $0x0  }
0x42: {  	s22 =	simm.s32 $0x4B0;
	[sflag:s16] =	ssyncadd.s32 $0xFFFFE700  }
0x43: {  	[tilespmem:s23], [sflag:$0x3] =	stream.indirect.gather [spmem:s2], $0x20, s22, s19, $0xb8;
	[tilespmem:$0x19E60] =	vst v63  }
0x44: {  	_ =	swait.ge [sflag:s14], $0x1900  }
0x45: {  	[sflag:s14] =	ssyncset.done $0x0  }
0x46: {  	s24 =	simm.s32 $0x5078;
	[sflag:s14] =	ssyncadd.s32 $0xFFFFE700  }
0x47: {  	[spmem:s3] =	stream.indirect.scatter.add.bf16 [tilespmem:s25], [sflag:$0x5], $0x20, s24, s19, $0xb8;
	[tilespmem:$0x19E60] =	vst v63  }
0x48: {  	_ =	swait.ge [sflag:s16], $0x1900  }
0x49: {  	[sflag:s16] =	ssyncset.done $0x0  }
0x4a: {  	s18 =	simm.s32 $0xC80;
	s22 =	simm.s32 $0x578;
	[sflag:s16] =	ssyncadd.s32 $0xFFFFE700  }
.LBB2_2:
0x4b: {  	[tilespmem:s25], [sflag:$0x4] =	stream.indirect.gather [spmem:s2], $0x20, s22, s19, $0xb8;
	[tilespmem:$0x19E60] =	vst v63  }
0x4c: {  	s22 =	smov.u32 s18  }
0x4d: {  	p0 =	sne.s32 s18, $0x11F80;
	s18 =	sadd.s32 $0xC80, s18;
	_ =	swait.ge [sflag:s13], $0x1900  }
0x4e: {  	s22 =	sshra.s32 s22, $0x2;
	[sflag:s13] =	ssyncset.done $0x0  }
0x4f: {  	s24 =	sadd.s32 $0x4E20, s22;
	[sflag:s13] =	ssyncadd.s32 $0xFFFFE700  }
0x50: {  	[spmem:s3] =	stream.indirect.scatter.add.bf16 [tilespmem:s20], [sflag:$0x5], $0x20, s24, s19, $0xb8;
	[tilespmem:$0x19E60] =	vst v63  }
0x51: {  	_ =	swait.ge [sflag:s16], $0x1900  }
0x52: {  	[sflag:s16] =	ssyncset.done $0x0  }
0x53: {  	s24 =	sadd.s32 $0x320, s22;
	[sflag:s16] =	ssyncadd.s32 $0xFFFFE700  }
0x54: {  	[tilespmem:s20], [sflag:$0x1] =	stream.indirect.gather [spmem:s2], $0x20, s24, s19, $0xb8;
	[tilespmem:$0x19E60] =	vst v63  }
0x55: {  	_ =	swait.ge [sflag:s26], $0x1900  }
0x56: {  	[sflag:s26] =	ssyncset.done $0x0  }
0x57: {  	s24 =	sadd.s32 $0x4EE8, s22;
	[sflag:s26] =	ssyncadd.s32 $0xFFFFE700  }
0x58: {  	[spmem:s3] =	stream.indirect.scatter.add.bf16 [tilespmem:s21], [sflag:$0x5], $0x20, s24, s19, $0xb8;
	[tilespmem:$0x19E60] =	vst v63  }
0x59: {  	_ =	swait.ge [sflag:s16], $0x1900  }
0x5a: {  	[sflag:s16] =	ssyncset.done $0x0  }
0x5b: {  	s24 =	sadd.s32 $0x3E8, s22;
	[sflag:s16] =	ssyncadd.s32 $0xFFFFE700  }
0x5c: {  	[tilespmem:s21], [sflag:$0x2] =	stream.indirect.gather [spmem:s2], $0x20, s24, s19, $0xb8;
	[tilespmem:$0x19E60] =	vst v63  }
0x5d: {  	_ =	swait.ge [sflag:s28], $0x1900  }
0x5e: {  	[sflag:s28] =	ssyncset.done $0x0  }
0x5f: {  	s24 =	sadd.s32 $0x4FB0, s22;
	[sflag:s28] =	ssyncadd.s32 $0xFFFFE700  }
0x60: {  	[spmem:s3] =	stream.indirect.scatter.add.bf16 [tilespmem:s23], [sflag:$0x5], $0x20, s24, s19, $0xb8;
	[tilespmem:$0x19E60] =	vst v63  }
0x61: {  	_ =	swait.ge [sflag:s16], $0x1900  }
0x62: {  	[sflag:s16] =	ssyncset.done $0x0  }
0x63: {  	s24 =	sadd.s32 $0x4B0, s22;
	[sflag:s16] =	ssyncadd.s32 $0xFFFFE700  }
0x64: {  	[tilespmem:s23], [sflag:$0x3] =	stream.indirect.gather [spmem:s2], $0x20, s24, s19, $0xb8;
	[tilespmem:$0x19E60] =	vst v63  }
0x65: {  	_ =	swait.ge [sflag:s14], $0x1900  }
0x66: {  	[sflag:s14] =	ssyncset.done $0x0  }
.Ltmp0:
0x67: {  	s24 =	sadd.s32 $0x5078, s22;
	[sflag:s14] =	ssyncadd.s32 $0xFFFFE700;
	(pc) =	sbr.rel @p0 .LBB2_2-.Ltmp0, $4  }
0x68: {  	[spmem:s3] =	stream.indirect.scatter.add.bf16 [tilespmem:s25], [sflag:$0x5], $0x20, s24, s19, $0xb8;
	[tilespmem:$0x19E60] =	vst v63  }
0x69: {  	_ =	swait.ge [sflag:s16], $0x1900  }
0x6a: {  	[sflag:s16] =	ssyncset.done $0x0  }
0x6b: {  	s22 =	sadd.s32 $0x578, s22;
	[sflag:s16] =	ssyncadd.s32 $0xFFFFE700  }
0x6c: {  	[tilespmem:s25], [sflag:$0x4] =	stream.indirect.gather [spmem:s2], $0x20, s22, s19, $0xb8;
	[tilespmem:$0x19E60] =	vst v63  }
0x6d: {  	_ =	swait.ge [sflag:s13], $0x1900  }
0x6e: {  	[sflag:s13] =	ssyncset.done $0x0  }
0x6f: {  	[sflag:s13] =	ssyncadd.s32 $0xFFFFE700  }
0x70: {  	[spmem:s3] =	stream.indirect.scatter.add.bf16 [tilespmem:s20], [sflag:$0x5], $0x20, s29, s19, $0xb8;
	[tilespmem:$0x19E60] =	vst v63  }
0x71: {  	_ =	swait.ge [sflag:s16], $0x1900  }
0x72: {  	[sflag:s16] =	ssyncset.done $0x0  }
0x73: {  	[sflag:s16] =	ssyncadd.s32 $0xFFFFE700  }
0x74: {  	_ =	swait.ge [sflag:s26], $0x1900  }
0x75: {  	[sflag:s26] =	ssyncset.done $0x0  }
0x76: {  	[sflag:s26] =	ssyncadd.s32 $0xFFFFE700  }
0x77: {  	[spmem:s3] =	stream.indirect.scatter.add.bf16 [tilespmem:s21], [sflag:$0x5], $0x20, s30, s19, $0xb8;
	[tilespmem:$0x19E60] =	vst v63  }
0x78: {  	_ =	swait.ge [sflag:s16], $0x1900  }
0x79: {  	[sflag:s16] =	ssyncset.done $0x0  }
0x7a: {  	[sflag:s16] =	ssyncadd.s32 $0xFFFFE700  }
0x7b: {  	_ =	swait.ge [sflag:s28], $0x1900  }
0x7c: {  	[sflag:s28] =	ssyncset.done $0x0  }
0x7d: {  	[sflag:s28] =	ssyncadd.s32 $0xFFFFE700  }
0x7e: {  	[spmem:s3] =	stream.indirect.scatter.add.bf16 [tilespmem:s23], [sflag:$0x5], $0x20, s31, s19, $0xb8;
	[tilespmem:$0x19E60] =	vst v63  }
0x7f: {  	_ =	swait.ge [sflag:s16], $0x1900  }
0x80: {  	[sflag:s16] =	ssyncset.done $0x0  }
0x81: {  	[sflag:s16] =	ssyncadd.s32 $0xFFFFE700  }
0x82: {  	_ =	swait.ge [sflag:s14], $0x1900  }
0x83: {  	[sflag:s14] =	ssyncset.done $0x0  }
0x84: {  	[sflag:s14] =	ssyncadd.s32 $0xFFFFE700  }
0x85: {  	[spmem:s3] =	stream.indirect.scatter.add.bf16 [tilespmem:s25], [sflag:$0x5], $0x20, s1, s19, $0xb8;
	[tilespmem:$0x19E60] =	vst v63  }
0x86: {  	_ =	swait.ge [sflag:s16], $0x1900  }
0x87: {  	s0 =	sadd.s32 $0x1, s0;
	[sflag:s16] =	ssyncset.done $0x0  }
0x88: {  	p0 =	sne.s32 s0, s11;
	[sflag:s16] =	ssyncadd.s32 $0xFFFFE700  }
.Ltmp1:
0x89: {  	[bflag:$0x0] =	sbarrier.arrive $0xFFFF;
	(pc) =	sbr.rel @p0 .LBB2_1-.Ltmp1, $4  }
0x8a: {  	[hbm:s10@s15], [sflag:s7] =	dma.strided [spmem:s17@s14], $0xA00, s13, $0x4   }
0x8b: {  	_ =	swait.ge [sflag:s16], $0xA00  }
0x8c: {  	[sflag:s16] =	ssyncset.done $0x0  }
0x8d: {  	[sflag:s16] =	ssyncadd.s32 $0xFFFFF600  }
0x8e: {  	_ =	sfence.sel $0x180000  }
0x8f: {  	[bflag:$0x0] =	sbarrier.arrive $0xFFFF  }
0x90: {  	_ =	strace $0x90000047  }
0x91: {  	s0 =	stileid.u32;
	[bflag:$0x2] =	sbarrier.arrive $0xFFFF  }
0x92: {  	p0 =	sne.s32 s0, $0x0;
	s0 =	rddreg [dreg:$0x4]  }
0x93: {  	s0 =	sadd.s32 @!p0 $0x100000, s0  }
0x94: {  	[sflag:s0] =	ssyncadd.tile.s32 @!p0 $0x1;
	_ =	shalt  }
.Lfunc_end2:
_tile_overlayer_lowered:
.L_overlay_start_2:
0x95: {  	(tag) =	ssettag $0x2  }
0x96: {  	s0 =	rddreg [dreg:$0x0];
	s2 =	stileid.u32  }
0x97: {  	s1 =	rddreg [dreg:$0x1];
	p0 =	sne.s32 s2, $0x0  }
0x98: {  	s3 =	rddreg [dreg:$0x2];
	[bflag:$0x3] =	sbarrier.arrive $0xFFFF;
	s2 =	simm.s32 @!p0 $0x1C05  }
0x99: {  	[timem:s3], [sflag:s2] =	dma.local @!p0 [hbm:s0], s1  }
0x9a: {  	s0 =	simm.s32 @!p0 $0x5  }
0x9b: {  	_ =	swait.ge @!p0 [sflag:s0], s1  }
0x9c: {  	s1 =	ssub.s32 @!p0 $0x0, s1;
	[sflag:s0] =	ssyncset.done @!p0 $0x0  }
0x9d: {  	[sflag:s0] =	ssyncadd.s32 @!p0 s1  }
0x9e: {  	[bflag:$0x3] =	sbarrier.arrive $0xFFFF  }
0x9f: {  	_ =	shalt  }

</sc_bundles>
